<compile_context>
chip_gen: v7x
topology: tpu7x:2x2x1
jax: 0.10.2.dev20260603
libtpu: 0.0.44.dev20260713+nightly
codegen_flags: <defaults>
</compile_context>

<pallas_src>
import functools

import jax
import jax.numpy as jnp
from jax import lax
from jax.experimental import pallas as pl
from jax.experimental.pallas import tpu as pltpu
from jax.experimental.pallas import tpu_sc as plsc

NC = 2
NS = 16
NW = NC * NS
B = 16384
D = 64
BPW = B // NW
CHUNK = 128
NCHUNK = BPW // CHUNK
LHALF = BPW // 2

_mesh = plsc.VectorSubcoreMesh(core_axis_name="c", subcore_axis_name="s")


@functools.partial(
    pl.kernel,
    out_type=(
        jax.ShapeDtypeStruct((B, D), jnp.float32),
        jax.ShapeDtypeStruct((B, D), jnp.float32),
        jax.ShapeDtypeStruct((B, 2 * D), jnp.float32),
    ),
    mesh=_mesh,
    compiler_params=pltpu.CompilerParams(use_tc_tiling_on_sc=False),
    scratch_types=[
        pltpu.VMEM((NCHUNK, CHUNK), jnp.int32),
        pltpu.VMEM((NCHUNK, CHUNK), jnp.int32),
        pltpu.VMEM((NCHUNK, CHUNK), jnp.int32),
        pltpu.VMEM((BPW, D), jnp.float32),
        pltpu.VMEM((BPW, D), jnp.float32),
        pltpu.VMEM((LHALF, 2 * D), jnp.float32),
        pltpu.SemaphoreType.DMA,
        pltpu.SemaphoreType.DMA,
        pltpu.SemaphoreType.DMA,
        pltpu.SemaphoreType.DMA,
        pltpu.SemaphoreType.DMA,
    ],
)
def _gather3(eu, et, el, iu, it, il, ou, ot, ol,
             idx_u, idx_t, idx_l, rows_u, rows_t, lines_v,
             sem_u, sem_t, sem_l, sem_w, sem_wl):
    wid = lax.axis_index("s") * NC + lax.axis_index("c")
    base = wid * BPW

    pltpu.sync_copy(iu.at[wid], idx_u)
    pltpu.sync_copy(it.at[wid], idx_t)
    pltpu.sync_copy(il.at[wid], idx_l)

    gu, gt, gl = [], [], []
    for j in range(NCHUNK):
        gu.append(pltpu.async_copy(
            eu.at[idx_u.at[j]], rows_u.at[pl.ds(j * CHUNK, CHUNK)], sem_u))
    for j in range(NCHUNK):
        gt.append(pltpu.async_copy(
            et.at[idx_t.at[j]], rows_t.at[pl.ds(j * CHUNK, CHUNK)], sem_t))
    for j in range(2):
        gl.append(pltpu.async_copy(
            el.at[idx_l.at[j]], lines_v.at[pl.ds(j * CHUNK, CHUNK)], sem_l))

    for c in gu:
        c.wait()
    wu = pltpu.async_copy(rows_u, ou.at[pl.ds(base, BPW)], sem_w)
    for c in gt:
        c.wait()
    wt = pltpu.async_copy(rows_t, ot.at[pl.ds(base, BPW)], sem_w)
    for c in gl:
        c.wait()
    wl = pltpu.async_copy(lines_v, ol.at[pl.ds(base, LHALF)], sem_wl)

    wl.wait()
    gl2 = []
    for j in range(2, 4):
        gl2.append(pltpu.async_copy(
            el.at[idx_l.at[j]],
            lines_v.at[pl.ds((j - 2) * CHUNK, CHUNK)], sem_l))
    for c in gl2:
        c.wait()
    wl2 = pltpu.async_copy(
        lines_v, ol.at[pl.ds(base + LHALF, LHALF)], sem_wl)
    wu.wait()
    wt.wait()
    wl2.wait()


def kernel(emb_user, emb_item, emb_tag, indices_user, indices_item, indices_tag):
    iu = indices_user.astype(jnp.int32)
    ii = indices_item.astype(jnp.int32)
    it = indices_tag.astype(jnp.int32)
    item_lines_tab = emb_item.reshape(500000, 2 * D)
    out_u, out_t, lines = _gather3(
        emb_user, emb_tag, item_lines_tab,
        iu.reshape(NW, NCHUNK, CHUNK),
        it.reshape(NW, NCHUNK, CHUNK),
        lax.shift_right_logical(ii, 1).reshape(NW, NCHUNK, CHUNK),
    )
    odd = (ii & 1)[:, None] == 1
    out_i = jnp.where(odd, lines[:, D:], lines[:, :D])
    return (out_u, out_i, out_t)

# --- scband reference (transcript-rebuilt; emitter-appended) ---
"""Pipeline reference for scband-rel-graph-embed-86663850098893 (READ-ONLY COPY).

The authoritative reference and input builder live on the scoring server;
editing this copy changes nothing except your own understanding.
"""

import jax, jax.numpy as jnp
import numpy as np

NUM_NODES = {"user": 1000000, "item": 1000000, "tag": 100000}
EMBED_SIZE = 64
BATCH = 16384

def _xavier_uniform(key, shape):
    fan_in, fan_out = shape[1], shape[0]
    limit = float(np.sqrt(6.0 / (fan_in + fan_out)))
    return jax.random.uniform(key, shape, dtype=jnp.float32, minval=-limit, maxval=limit)

def setup_inputs(seed: int = 0) -> dict:
    key = jax.random.key(seed)
    k_eu, k_ei, k_et, k_iu, k_ii, k_it = jax.random.split(key, 6)
    emb_user = _xavier_uniform(k_eu, (NUM_NODES["user"], EMBED_SIZE))
    emb_item = _xavier_uniform(k_ei, (NUM_NODES["item"], EMBED_SIZE))
    emb_tag = _xavier_uniform(k_et, (NUM_NODES["tag"], EMBED_SIZE))
    indices_user = jax.random.randint(k_iu, (BATCH,), 0, NUM_NODES["user"], dtype=jnp.int64 if jax.config.jax_enable_x64 else jnp.int32)
    indices_item = jax.random.randint(k_ii, (BATCH,), 0, NUM_NODES["item"], dtype=jnp.int64 if jax.config.jax_enable_x64 else jnp.int32)
    indices_tag = jax.random.randint(k_it, (BATCH,), 0, NUM_NODES["tag"], dtype=jnp.int64 if jax.config.jax_enable_x64 else jnp.int32)
    return {
        "emb_user": emb_user,
        "emb_item": emb_item,
        "emb_tag": emb_tag,
        "indices_user": indices_user,
        "indices_item": indices_item,
        "indices_tag": indices_tag,
    }

def reference(emb_user, emb_item, emb_tag, indices_user, indices_item, indices_tag):
    # RelGraphEmbed.forward(indices): {k: self.embeds[k][indices[k]] for k in indices}
    out_user = jnp.take(emb_user, indices_user, axis=0)
    out_item = jnp.take(emb_item, indices_item, axis=0)
    out_tag = jnp.take(emb_tag, indices_tag, axis=0)
    return (out_user, out_item, out_tag)

if __name__ == "__main__":
    import jax
    _d = setup_inputs()
    print(jax.jit(kernel)(*tuple(_d.values())))

</pallas_src>

<mosaic_0001>
#map = affine_map<(d0, d1) -> (0, 0)>
#map1 = affine_map<(d0, d1) -> (0, 0, 0)>
module attributes {stable_mosaic.version = 14 : i64} {
  func.func @_gather3(%arg0: i32, %arg1: i32, %arg2: memref<1000000x64xf32, #tpu.memory_space<hbm>>, %arg3: memref<100000x64xf32, #tpu.memory_space<hbm>>, %arg4: memref<500000x128xf32, #tpu.memory_space<hbm>>, %arg5: memref<32x4x128xi32, #tpu.memory_space<hbm>>, %arg6: memref<32x4x128xi32, #tpu.memory_space<hbm>>, %arg7: memref<32x4x128xi32, #tpu.memory_space<hbm>>, %arg8: memref<16384x64xf32, #tpu.memory_space<hbm>>, %arg9: memref<16384x64xf32, #tpu.memory_space<hbm>>, %arg10: memref<16384x128xf32, #tpu.memory_space<hbm>>, %arg11: memref<4x128xi32, #tpu.memory_space<vmem>>, %arg12: memref<4x128xi32, #tpu.memory_space<vmem>>, %arg13: memref<4x128xi32, #tpu.memory_space<vmem>>, %arg14: memref<512x64xf32, #tpu.memory_space<vmem>>, %arg15: memref<512x64xf32, #tpu.memory_space<vmem>>, %arg16: memref<256x128xf32, #tpu.memory_space<vmem>>, %arg17: memref<!tpu.dma_semaphore, #tpu.memory_space<semaphore_mem>>, %arg18: memref<!tpu.dma_semaphore, #tpu.memory_space<semaphore_mem>>, %arg19: memref<!tpu.dma_semaphore, #tpu.memory_space<semaphore_mem>>, %arg20: memref<!tpu.dma_semaphore, #tpu.memory_space<semaphore_mem>>, %arg21: memref<!tpu.dma_semaphore, #tpu.memory_space<semaphore_mem>>) attributes {dimension_semantics = [#tpu.dimension_semantics<core_parallel>, #tpu.dimension_semantics<subcore_parallel>], iteration_bounds = array<i64: 2, 16>, scalar_prefetch = 0 : i64, scratch_operands = 11 : i64, tpu.core_type = #tpu.core_type<sc_vector_subcore>, window_params = [{transform_indices = #map}, {transform_indices = #map}, {transform_indices = #map}, {transform_indices = #map1}, {transform_indices = #map1}, {transform_indices = #map1}, {transform_indices = #map}, {transform_indices = #map}, {transform_indices = #map}]} {
    %mul3A = arith.constant 2 : i32
    %mul3A_0 = arith.muli %arg1, %mul3A : i32
    %add3A = arith.addi %mul3A_0, %arg0 : i32
    %mul3A_1 = arith.constant 512 : i32
    %mul3A_2 = arith.muli %add3A, %mul3A_1 : i32
    "tpu.region"() ({
      %run_scoped3A = tpu.sem_alloc : memref<!tpu.dma_semaphore, #tpu.memory_space<semaphore_mem>>
      %dma_start3A_275 = arith.constant 0 : i32
      %dma_start3A_276 = arith.constant 0 : i32
      %dma_start3A_277 = tpu.memref_slice %arg5[%add3A, %dma_start3A_275, %dma_start3A_276] : memref<32x4x128xi32, #tpu.memory_space<hbm>> -> memref<1x4x128xi32, #tpu.memory_space<hbm>>
      %dma_start3A_278 = tpu.memref_squeeze %dma_start3A_277 : memref<1x4x128xi32, #tpu.memory_space<hbm>> -> memref<4x128xi32, #tpu.memory_space<hbm>>
      %dma_start3A_279 = arith.constant 0 : i32
      %dma_start3A_280 = arith.constant 0 : i32
      %dma_start3A_281 = tpu.memref_slice %arg5[%add3A, %dma_start3A_279, %dma_start3A_280] : memref<32x4x128xi32, #tpu.memory_space<hbm>> -> memref<1x4x128xi32, #tpu.memory_space<hbm>>
      %dma_start3A_282 = tpu.memref_squeeze %dma_start3A_281 : memref<1x4x128xi32, #tpu.memory_space<hbm>> -> memref<4x128xi32, #tpu.memory_space<hbm>>
      tpu.enqueue_dma source(%dma_start3A_282 : memref<4x128xi32, #tpu.memory_space<hbm>>) target(%arg11 : memref<4x128xi32, #tpu.memory_space<vmem>>) target_semaphore(%run_scoped3A : memref<!tpu.dma_semaphore, #tpu.memory_space<semaphore_mem>>)
      %dma_wait3A_283 = arith.constant 0 : i32
      %dma_wait3A_284 = arith.constant 0 : i32
      %dma_wait3A_285 = tpu.memref_slice %arg5[%add3A, %dma_wait3A_283, %dma_wait3A_284] : memref<32x4x128xi32, #tpu.memory_space<hbm>> -> memref<1x4x128xi32, #tpu.memory_space<hbm>>
      %dma_wait3A_286 = tpu.memref_squeeze %dma_wait3A_285 : memref<1x4x128xi32, #tpu.memory_space<hbm>> -> memref<4x128xi32, #tpu.memory_space<hbm>>
      %dma_wait3A_287 = arith.constant 0 : i32
      %dma_wait3A_288 = arith.constant 0 : i32
      %dma_wait3A_289 = tpu.memref_slice %arg5[%add3A, %dma_wait3A_287, %dma_wait3A_288] : memref<32x4x128xi32, #tpu.memory_space<hbm>> -> memref<1x4x128xi32, #tpu.memory_space<hbm>>
      %dma_wait3A_290 = tpu.memref_squeeze %dma_wait3A_289 : memref<1x4x128xi32, #tpu.memory_space<hbm>> -> memref<4x128xi32, #tpu.memory_space<hbm>>
      tpu.wait_dma2 semaphore(%run_scoped3A : memref<!tpu.dma_semaphore, #tpu.memory_space<semaphore_mem>>) src(%dma_wait3A_290 : memref<4x128xi32, #tpu.memory_space<hbm>>) dst(%arg11 : memref<4x128xi32, #tpu.memory_space<vmem>>)
      tpu.yield
    }) : () -> ()
    "tpu.region"() ({
      %run_scoped3A = tpu.sem_alloc : memref<!tpu.dma_semaphore, #tpu.memory_space<semaphore_mem>>
      %dma_start3A_275 = arith.constant 0 : i32
      %dma_start3A_276 = arith.constant 0 : i32
      %dma_start3A_277 = tpu.memref_slice %arg6[%add3A, %dma_start3A_275, %dma_start3A_276] : memref<32x4x128xi32, #tpu.memory_space<hbm>> -> memref<1x4x128xi32, #tpu.memory_space<hbm>>
      %dma_start3A_278 = tpu.memref_squeeze %dma_start3A_277 : memref<1x4x128xi32, #tpu.memory_space<hbm>> -> memref<4x128xi32, #tpu.memory_space<hbm>>
      %dma_start3A_279 = arith.constant 0 : i32
      %dma_start3A_280 = arith.constant 0 : i32
      %dma_start3A_281 = tpu.memref_slice %arg6[%add3A, %dma_start3A_279, %dma_start3A_280] : memref<32x4x128xi32, #tpu.memory_space<hbm>> -> memref<1x4x128xi32, #tpu.memory_space<hbm>>
      %dma_start3A_282 = tpu.memref_squeeze %dma_start3A_281 : memref<1x4x128xi32, #tpu.memory_space<hbm>> -> memref<4x128xi32, #tpu.memory_space<hbm>>
      tpu.enqueue_dma source(%dma_start3A_282 : memref<4x128xi32, #tpu.memory_space<hbm>>) target(%arg12 : memref<4x128xi32, #tpu.memory_space<vmem>>) target_semaphore(%run_scoped3A : memref<!tpu.dma_semaphore, #tpu.memory_space<semaphore_mem>>)
      %dma_wait3A_283 = arith.constant 0 : i32
      %dma_wait3A_284 = arith.constant 0 : i32
      %dma_wait3A_285 = tpu.memref_slice %arg6[%add3A, %dma_wait3A_283, %dma_wait3A_284] : memref<32x4x128xi32, #tpu.memory_space<hbm>> -> memref<1x4x128xi32, #tpu.memory_space<hbm>>
      %dma_wait3A_286 = tpu.memref_squeeze %dma_wait3A_285 : memref<1x4x128xi32, #tpu.memory_space<hbm>> -> memref<4x128xi32, #tpu.memory_space<hbm>>
      %dma_wait3A_287 = arith.constant 0 : i32
      %dma_wait3A_288 = arith.constant 0 : i32
      %dma_wait3A_289 = tpu.memref_slice %arg6[%add3A, %dma_wait3A_287, %dma_wait3A_288] : memref<32x4x128xi32, #tpu.memory_space<hbm>> -> memref<1x4x128xi32, #tpu.memory_space<hbm>>
      %dma_wait3A_290 = tpu.memref_squeeze %dma_wait3A_289 : memref<1x4x128xi32, #tpu.memory_space<hbm>> -> memref<4x128xi32, #tpu.memory_space<hbm>>
      tpu.wait_dma2 semaphore(%run_scoped3A : memref<!tpu.dma_semaphore, #tpu.memory_space<semaphore_mem>>) src(%dma_wait3A_290 : memref<4x128xi32, #tpu.memory_space<hbm>>) dst(%arg12 : memref<4x128xi32, #tpu.memory_space<vmem>>)
      tpu.yield
    }) : () -> ()
    "tpu.region"() ({
      %run_scoped3A = tpu.sem_alloc : memref<!tpu.dma_semaphore, #tpu.memory_space<semaphore_mem>>
      %dma_start3A_275 = arith.constant 0 : i32
      %dma_start3A_276 = arith.constant 0 : i32
      %dma_start3A_277 = tpu.memref_slice %arg7[%add3A, %dma_start3A_275, %dma_start3A_276] : memref<32x4x128xi32, #tpu.memory_space<hbm>> -> memref<1x4x128xi32, #tpu.memory_space<hbm>>
      %dma_start3A_278 = tpu.memref_squeeze %dma_start3A_277 : memref<1x4x128xi32, #tpu.memory_space<hbm>> -> memref<4x128xi32, #tpu.memory_space<hbm>>
      %dma_start3A_279 = arith.constant 0 : i32
      %dma_start3A_280 = arith.constant 0 : i32
      %dma_start3A_281 = tpu.memref_slice %arg7[%add3A, %dma_start3A_279, %dma_start3A_280] : memref<32x4x128xi32, #tpu.memory_space<hbm>> -> memref<1x4x128xi32, #tpu.memory_space<hbm>>
      %dma_start3A_282 = tpu.memref_squeeze %dma_start3A_281 : memref<1x4x128xi32, #tpu.memory_space<hbm>> -> memref<4x128xi32, #tpu.memory_space<hbm>>
      tpu.enqueue_dma source(%dma_start3A_282 : memref<4x128xi32, #tpu.memory_space<hbm>>) target(%arg13 : memref<4x128xi32, #tpu.memory_space<vmem>>) target_semaphore(%run_scoped3A : memref<!tpu.dma_semaphore, #tpu.memory_space<semaphore_mem>>)
      %dma_wait3A_283 = arith.constant 0 : i32
      %dma_wait3A_284 = arith.constant 0 : i32
      %dma_wait3A_285 = tpu.memref_slice %arg7[%add3A, %dma_wait3A_283, %dma_wait3A_284] : memref<32x4x128xi32, #tpu.memory_space<hbm>> -> memref<1x4x128xi32, #tpu.memory_space<hbm>>
      %dma_wait3A_286 = tpu.memref_squeeze %dma_wait3A_285 : memref<1x4x128xi32, #tpu.memory_space<hbm>> -> memref<4x128xi32, #tpu.memory_space<hbm>>
      %dma_wait3A_287 = arith.constant 0 : i32
      %dma_wait3A_288 = arith.constant 0 : i32
      %dma_wait3A_289 = tpu.memref_slice %arg7[%add3A, %dma_wait3A_287, %dma_wait3A_288] : memref<32x4x128xi32, #tpu.memory_space<hbm>> -> memref<1x4x128xi32, #tpu.memory_space<hbm>>
      %dma_wait3A_290 = tpu.memref_squeeze %dma_wait3A_289 : memref<1x4x128xi32, #tpu.memory_space<hbm>> -> memref<4x128xi32, #tpu.memory_space<hbm>>
      tpu.wait_dma2 semaphore(%run_scoped3A : memref<!tpu.dma_semaphore, #tpu.memory_space<semaphore_mem>>) src(%dma_wait3A_290 : memref<4x128xi32, #tpu.memory_space<hbm>>) dst(%arg13 : memref<4x128xi32, #tpu.memory_space<vmem>>)
      tpu.yield
    }) : () -> ()
    %dma_start3A = arith.constant 0 : i32
    %dma_start3A_3 = arith.constant 0 : i32
    %dma_start3A_4 = arith.constant 0 : i32
    %dma_start3A_5 = tpu.memref_slice %arg14[%dma_start3A_3, %dma_start3A_4] : memref<512x64xf32, #tpu.memory_space<vmem>> -> memref<128x64xf32, #tpu.memory_space<vmem>>
    %dma_start3A_6 = arith.constant 0 : i32
    %dma_start3A_7 = tpu.memref_slice %arg11[%dma_start3A, %dma_start3A_6] : memref<4x128xi32, #tpu.memory_space<vmem>> -> memref<1x128xi32, #tpu.memory_space<vmem>>
    %dma_start3A_8 = tpu.memref_squeeze %dma_start3A_7 : memref<1x128xi32, #tpu.memory_space<vmem>> -> memref<128xi32, #tpu.memory_space<vmem>>
    %dma_start3A_9 = arith.constant 0 : i32
    %dma_start3A_10 = arith.constant 0 : i32
    %dma_start3A_11 = tpu.memref_slice %arg2[%dma_start3A_9, %dma_start3A_10] : memref<1000000x64xf32, #tpu.memory_space<hbm>> -> memref<1000000x64xf32, #tpu.memory_space<hbm>>
    tpu.enqueue_indirect_dma source(%dma_start3A_11 : memref<1000000x64xf32, #tpu.memory_space<hbm>>) target(%dma_start3A_5 : memref<128x64xf32, #tpu.memory_space<vmem>>) offsets(%dma_start3A_8 : memref<128xi32, #tpu.memory_space<vmem>>) semaphore(%arg17 : memref<!tpu.dma_semaphore, #tpu.memory_space<semaphore_mem>>)
    %dma_start3A_12 = arith.constant 1 : i32
    %dma_start3A_13 = arith.constant 128 : i32
    %dma_start3A_14 = arith.constant 0 : i32
    %dma_start3A_15 = tpu.memref_slice %arg14[%dma_start3A_13, %dma_start3A_14] : memref<512x64xf32, #tpu.memory_space<vmem>> -> memref<128x64xf32, #tpu.memory_space<vmem>>
    %dma_start3A_16 = arith.constant 0 : i32
    %dma_start3A_17 = tpu.memref_slice %arg11[%dma_start3A_12, %dma_start3A_16] : memref<4x128xi32, #tpu.memory_space<vmem>> -> memref<1x128xi32, #tpu.memory_space<vmem>>
    %dma_start3A_18 = tpu.memref_squeeze %dma_start3A_17 : memref<1x128xi32, #tpu.memory_space<vmem>> -> memref<128xi32, #tpu.memory_space<vmem>>
    %dma_start3A_19 = arith.constant 0 : i32
    %dma_start3A_20 = arith.constant 0 : i32
    %dma_start3A_21 = tpu.memref_slice %arg2[%dma_start3A_19, %dma_start3A_20] : memref<1000000x64xf32, #tpu.memory_space<hbm>> -> memref<1000000x64xf32, #tpu.memory_space<hbm>>
    tpu.enqueue_indirect_dma source(%dma_start3A_21 : memref<1000000x64xf32, #tpu.memory_space<hbm>>) target(%dma_start3A_15 : memref<128x64xf32, #tpu.memory_space<vmem>>) offsets(%dma_start3A_18 : memref<128xi32, #tpu.memory_space<vmem>>) semaphore(%arg17 : memref<!tpu.dma_semaphore, #tpu.memory_space<semaphore_mem>>)
    %dma_start3A_22 = arith.constant 2 : i32
    %dma_start3A_23 = arith.constant 256 : i32
    %dma_start3A_24 = arith.constant 0 : i32
    %dma_start3A_25 = tpu.memref_slice %arg14[%dma_start3A_23, %dma_start3A_24] : memref<512x64xf32, #tpu.memory_space<vmem>> -> memref<128x64xf32, #tpu.memory_space<vmem>>
    %dma_start3A_26 = arith.constant 0 : i32
    %dma_start3A_27 = tpu.memref_slice %arg11[%dma_start3A_22, %dma_start3A_26] : memref<4x128xi32, #tpu.memory_space<vmem>> -> memref<1x128xi32, #tpu.memory_space<vmem>>
    %dma_start3A_28 = tpu.memref_squeeze %dma_start3A_27 : memref<1x128xi32, #tpu.memory_space<vmem>> -> memref<128xi32, #tpu.memory_space<vmem>>
    %dma_start3A_29 = arith.constant 0 : i32
    %dma_start3A_30 = arith.constant 0 : i32
    %dma_start3A_31 = tpu.memref_slice %arg2[%dma_start3A_29, %dma_start3A_30] : memref<1000000x64xf32, #tpu.memory_space<hbm>> -> memref<1000000x64xf32, #tpu.memory_space<hbm>>
    tpu.enqueue_indirect_dma source(%dma_start3A_31 : memref<1000000x64xf32, #tpu.memory_space<hbm>>) target(%dma_start3A_25 : memref<128x64xf32, #tpu.memory_space<vmem>>) offsets(%dma_start3A_28 : memref<128xi32, #tpu.memory_space<vmem>>) semaphore(%arg17 : memref<!tpu.dma_semaphore, #tpu.memory_space<semaphore_mem>>)
    %dma_start3A_32 = arith.constant 3 : i32
    %dma_start3A_33 = arith.constant 384 : i32
    %dma_start3A_34 = arith.constant 0 : i32
    %dma_start3A_35 = tpu.memref_slice %arg14[%dma_start3A_33, %dma_start3A_34] : memref<512x64xf32, #tpu.memory_space<vmem>> -> memref<128x64xf32, #tpu.memory_space<vmem>>
    %dma_start3A_36 = arith.constant 0 : i32
    %dma_start3A_37 = tpu.memref_slice %arg11[%dma_start3A_32, %dma_start3A_36] : memref<4x128xi32, #tpu.memory_space<vmem>> -> memref<1x128xi32, #tpu.memory_space<vmem>>
    %dma_start3A_38 = tpu.memref_squeeze %dma_start3A_37 : memref<1x128xi32, #tpu.memory_space<vmem>> -> memref<128xi32, #tpu.memory_space<vmem>>
    %dma_start3A_39 = arith.constant 0 : i32
    %dma_start3A_40 = arith.constant 0 : i32
    %dma_start3A_41 = tpu.memref_slice %arg2[%dma_start3A_39, %dma_start3A_40] : memref<1000000x64xf32, #tpu.memory_space<hbm>> -> memref<1000000x64xf32, #tpu.memory_space<hbm>>
    tpu.enqueue_indirect_dma source(%dma_start3A_41 : memref<1000000x64xf32, #tpu.memory_space<hbm>>) target(%dma_start3A_35 : memref<128x64xf32, #tpu.memory_space<vmem>>) offsets(%dma_start3A_38 : memref<128xi32, #tpu.memory_space<vmem>>) semaphore(%arg17 : memref<!tpu.dma_semaphore, #tpu.memory_space<semaphore_mem>>)
    %dma_start3A_42 = arith.constant 0 : i32
    %dma_start3A_43 = arith.constant 0 : i32
    %dma_start3A_44 = arith.constant 0 : i32
    %dma_start3A_45 = tpu.memref_slice %arg15[%dma_start3A_43, %dma_start3A_44] : memref<512x64xf32, #tpu.memory_space<vmem>> -> memref<128x64xf32, #tpu.memory_space<vmem>>
    %dma_start3A_46 = arith.constant 0 : i32
    %dma_start3A_47 = tpu.memref_slice %arg12[%dma_start3A_42, %dma_start3A_46] : memref<4x128xi32, #tpu.memory_space<vmem>> -> memref<1x128xi32, #tpu.memory_space<vmem>>
    %dma_start3A_48 = tpu.memref_squeeze %dma_start3A_47 : memref<1x128xi32, #tpu.memory_space<vmem>> -> memref<128xi32, #tpu.memory_space<vmem>>
    %dma_start3A_49 = arith.constant 0 : i32
    %dma_start3A_50 = arith.constant 0 : i32
    %dma_start3A_51 = tpu.memref_slice %arg3[%dma_start3A_49, %dma_start3A_50] : memref<100000x64xf32, #tpu.memory_space<hbm>> -> memref<100000x64xf32, #tpu.memory_space<hbm>>
    tpu.enqueue_indirect_dma source(%dma_start3A_51 : memref<100000x64xf32, #tpu.memory_space<hbm>>) target(%dma_start3A_45 : memref<128x64xf32, #tpu.memory_space<vmem>>) offsets(%dma_start3A_48 : memref<128xi32, #tpu.memory_space<vmem>>) semaphore(%arg18 : memref<!tpu.dma_semaphore, #tpu.memory_space<semaphore_mem>>)
    %dma_start3A_52 = arith.constant 1 : i32
    %dma_start3A_53 = arith.constant 128 : i32
    %dma_start3A_54 = arith.constant 0 : i32
    %dma_start3A_55 = tpu.memref_slice %arg15[%dma_start3A_53, %dma_start3A_54] : memref<512x64xf32, #tpu.memory_space<vmem>> -> memref<128x64xf32, #tpu.memory_space<vmem>>
    %dma_start3A_56 = arith.constant 0 : i32
    %dma_start3A_57 = tpu.memref_slice %arg12[%dma_start3A_52, %dma_start3A_56] : memref<4x128xi32, #tpu.memory_space<vmem>> -> memref<1x128xi32, #tpu.memory_space<vmem>>
    %dma_start3A_58 = tpu.memref_squeeze %dma_start3A_57 : memref<1x128xi32, #tpu.memory_space<vmem>> -> memref<128xi32, #tpu.memory_space<vmem>>
    %dma_start3A_59 = arith.constant 0 : i32
    %dma_start3A_60 = arith.constant 0 : i32
    %dma_start3A_61 = tpu.memref_slice %arg3[%dma_start3A_59, %dma_start3A_60] : memref<100000x64xf32, #tpu.memory_space<hbm>> -> memref<100000x64xf32, #tpu.memory_space<hbm>>
    tpu.enqueue_indirect_dma source(%dma_start3A_61 : memref<100000x64xf32, #tpu.memory_space<hbm>>) target(%dma_start3A_55 : memref<128x64xf32, #tpu.memory_space<vmem>>) offsets(%dma_start3A_58 : memref<128xi32, #tpu.memory_space<vmem>>) semaphore(%arg18 : memref<!tpu.dma_semaphore, #tpu.memory_space<semaphore_mem>>)
    %dma_start3A_62 = arith.constant 2 : i32
    %dma_start3A_63 = arith.constant 256 : i32
    %dma_start3A_64 = arith.constant 0 : i32
    %dma_start3A_65 = tpu.memref_slice %arg15[%dma_start3A_63, %dma_start3A_64] : memref<512x64xf32, #tpu.memory_space<vmem>> -> memref<128x64xf32, #tpu.memory_space<vmem>>
    %dma_start3A_66 = arith.constant 0 : i32
    %dma_start3A_67 = tpu.memref_slice %arg12[%dma_start3A_62, %dma_start3A_66] : memref<4x128xi32, #tpu.memory_space<vmem>> -> memref<1x128xi32, #tpu.memory_space<vmem>>
    %dma_start3A_68 = tpu.memref_squeeze %dma_start3A_67 : memref<1x128xi32, #tpu.memory_space<vmem>> -> memref<128xi32, #tpu.memory_space<vmem>>
    %dma_start3A_69 = arith.constant 0 : i32
    %dma_start3A_70 = arith.constant 0 : i32
    %dma_start3A_71 = tpu.memref_slice %arg3[%dma_start3A_69, %dma_start3A_70] : memref<100000x64xf32, #tpu.memory_space<hbm>> -> memref<100000x64xf32, #tpu.memory_space<hbm>>
    tpu.enqueue_indirect_dma source(%dma_start3A_71 : memref<100000x64xf32, #tpu.memory_space<hbm>>) target(%dma_start3A_65 : memref<128x64xf32, #tpu.memory_space<vmem>>) offsets(%dma_start3A_68 : memref<128xi32, #tpu.memory_space<vmem>>) semaphore(%arg18 : memref<!tpu.dma_semaphore, #tpu.memory_space<semaphore_mem>>)
    %dma_start3A_72 = arith.constant 3 : i32
    %dma_start3A_73 = arith.constant 384 : i32
    %dma_start3A_74 = arith.constant 0 : i32
    %dma_start3A_75 = tpu.memref_slice %arg15[%dma_start3A_73, %dma_start3A_74] : memref<512x64xf32, #tpu.memory_space<vmem>> -> memref<128x64xf32, #tpu.memory_space<vmem>>
    %dma_start3A_76 = arith.constant 0 : i32
    %dma_start3A_77 = tpu.memref_slice %arg12[%dma_start3A_72, %dma_start3A_76] : memref<4x128xi32, #tpu.memory_space<vmem>> -> memref<1x128xi32, #tpu.memory_space<vmem>>
    %dma_start3A_78 = tpu.memref_squeeze %dma_start3A_77 : memref<1x128xi32, #tpu.memory_space<vmem>> -> memref<128xi32, #tpu.memory_space<vmem>>
    %dma_start3A_79 = arith.constant 0 : i32
    %dma_start3A_80 = arith.constant 0 : i32
    %dma_start3A_81 = tpu.memref_slice %arg3[%dma_start3A_79, %dma_start3A_80] : memref<100000x64xf32, #tpu.memory_space<hbm>> -> memref<100000x64xf32, #tpu.memory_space<hbm>>
    tpu.enqueue_indirect_dma source(%dma_start3A_81 : memref<100000x64xf32, #tpu.memory_space<hbm>>) target(%dma_start3A_75 : memref<128x64xf32, #tpu.memory_space<vmem>>) offsets(%dma_start3A_78 : memref<128xi32, #tpu.memory_space<vmem>>) semaphore(%arg18 : memref<!tpu.dma_semaphore, #tpu.memory_space<semaphore_mem>>)
    %dma_start3A_82 = arith.constant 0 : i32
    %dma_start3A_83 = arith.constant 0 : i32
    %dma_start3A_84 = arith.constant 0 : i32
    %dma_start3A_85 = tpu.memref_slice %arg16[%dma_start3A_83, %dma_start3A_84] : memref<256x128xf32, #tpu.memory_space<vmem>> -> memref<128x128xf32, #tpu.memory_space<vmem>>
    %dma_start3A_86 = arith.constant 0 : i32
    %dma_start3A_87 = tpu.memref_slice %arg13[%dma_start3A_82, %dma_start3A_86] : memref<4x128xi32, #tpu.memory_space<vmem>> -> memref<1x128xi32, #tpu.memory_space<vmem>>
    %dma_start3A_88 = tpu.memref_squeeze %dma_start3A_87 : memref<1x128xi32, #tpu.memory_space<vmem>> -> memref<128xi32, #tpu.memory_space<vmem>>
    %dma_start3A_89 = arith.constant 0 : i32
    %dma_start3A_90 = arith.constant 0 : i32
    %dma_start3A_91 = tpu.memref_slice %arg4[%dma_start3A_89, %dma_start3A_90] : memref<500000x128xf32, #tpu.memory_space<hbm>> -> memref<500000x128xf32, #tpu.memory_space<hbm>>
    tpu.enqueue_indirect_dma source(%dma_start3A_91 : memref<500000x128xf32, #tpu.memory_space<hbm>>) target(%dma_start3A_85 : memref<128x128xf32, #tpu.memory_space<vmem>>) offsets(%dma_start3A_88 : memref<128xi32, #tpu.memory_space<vmem>>) semaphore(%arg19 : memref<!tpu.dma_semaphore, #tpu.memory_space<semaphore_mem>>)
    %dma_start3A_92 = arith.constant 1 : i32
    %dma_start3A_93 = arith.constant 128 : i32
    %dma_start3A_94 = arith.constant 0 : i32
    %dma_start3A_95 = tpu.memref_slice %arg16[%dma_start3A_93, %dma_start3A_94] : memref<256x128xf32, #tpu.memory_space<vmem>> -> memref<128x128xf32, #tpu.memory_space<vmem>>
    %dma_start3A_96 = arith.constant 0 : i32
    %dma_start3A_97 = tpu.memref_slice %arg13[%dma_start3A_92, %dma_start3A_96] : memref<4x128xi32, #tpu.memory_space<vmem>> -> memref<1x128xi32, #tpu.memory_space<vmem>>
    %dma_start3A_98 = tpu.memref_squeeze %dma_start3A_97 : memref<1x128xi32, #tpu.memory_space<vmem>> -> memref<128xi32, #tpu.memory_space<vmem>>
    %dma_start3A_99 = arith.constant 0 : i32
    %dma_start3A_100 = arith.constant 0 : i32
    %dma_start3A_101 = tpu.memref_slice %arg4[%dma_start3A_99, %dma_start3A_100] : memref<500000x128xf32, #tpu.memory_space<hbm>> -> memref<500000x128xf32, #tpu.memory_space<hbm>>
    tpu.enqueue_indirect_dma source(%dma_start3A_101 : memref<500000x128xf32, #tpu.memory_space<hbm>>) target(%dma_start3A_95 : memref<128x128xf32, #tpu.memory_space<vmem>>) offsets(%dma_start3A_98 : memref<128xi32, #tpu.memory_space<vmem>>) semaphore(%arg19 : memref<!tpu.dma_semaphore, #tpu.memory_space<semaphore_mem>>)
    %dma_wait3A = arith.constant 0 : i32
    %dma_wait3A_102 = arith.constant 0 : i32
    %dma_wait3A_103 = arith.constant 0 : i32
    %dma_wait3A_104 = tpu.memref_slice %arg14[%dma_wait3A_102, %dma_wait3A_103] : memref<512x64xf32, #tpu.memory_space<vmem>> -> memref<128x64xf32, #tpu.memory_space<vmem>>
    %dma_wait3A_105 = arith.constant 0 : i32
    %dma_wait3A_106 = tpu.memref_slice %arg11[%dma_wait3A, %dma_wait3A_105] : memref<4x128xi32, #tpu.memory_space<vmem>> -> memref<1x128xi32, #tpu.memory_space<vmem>>
    %dma_wait3A_107 = tpu.memref_squeeze %dma_wait3A_106 : memref<1x128xi32, #tpu.memory_space<vmem>> -> memref<128xi32, #tpu.memory_space<vmem>>
    %dma_wait3A_108 = arith.constant 0 : i32
    %dma_wait3A_109 = arith.constant 0 : i32
    %dma_wait3A_110 = tpu.memref_slice %arg2[%dma_wait3A_108, %dma_wait3A_109] : memref<1000000x64xf32, #tpu.memory_space<hbm>> -> memref<1000000x64xf32, #tpu.memory_space<hbm>>
    tpu.wait_indirect_dma semaphore(%arg17 : memref<!tpu.dma_semaphore, #tpu.memory_space<semaphore_mem>>) src(%dma_wait3A_110 : memref<1000000x64xf32, #tpu.memory_space<hbm>>) dst(%dma_wait3A_104 : memref<128x64xf32, #tpu.memory_space<vmem>>)
    %dma_wait3A_111 = arith.constant 1 : i32
    %dma_wait3A_112 = arith.constant 128 : i32
    %dma_wait3A_113 = arith.constant 0 : i32
    %dma_wait3A_114 = tpu.memref_slice %arg14[%dma_wait3A_112, %dma_wait3A_113] : memref<512x64xf32, #tpu.memory_space<vmem>> -> memref<128x64xf32, #tpu.memory_space<vmem>>
    %dma_wait3A_115 = arith.constant 0 : i32
    %dma_wait3A_116 = tpu.memref_slice %arg11[%dma_wait3A_111, %dma_wait3A_115] : memref<4x128xi32, #tpu.memory_space<vmem>> -> memref<1x128xi32, #tpu.memory_space<vmem>>
    %dma_wait3A_117 = tpu.memref_squeeze %dma_wait3A_116 : memref<1x128xi32, #tpu.memory_space<vmem>> -> memref<128xi32, #tpu.memory_space<vmem>>
    %dma_wait3A_118 = arith.constant 0 : i32
    %dma_wait3A_119 = arith.constant 0 : i32
    %dma_wait3A_120 = tpu.memref_slice %arg2[%dma_wait3A_118, %dma_wait3A_119] : memref<1000000x64xf32, #tpu.memory_space<hbm>> -> memref<1000000x64xf32, #tpu.memory_space<hbm>>
    tpu.wait_indirect_dma semaphore(%arg17 : memref<!tpu.dma_semaphore, #tpu.memory_space<semaphore_mem>>) src(%dma_wait3A_120 : memref<1000000x64xf32, #tpu.memory_space<hbm>>) dst(%dma_wait3A_114 : memref<128x64xf32, #tpu.memory_space<vmem>>)
    %dma_wait3A_121 = arith.constant 2 : i32
    %dma_wait3A_122 = arith.constant 256 : i32
    %dma_wait3A_123 = arith.constant 0 : i32
    %dma_wait3A_124 = tpu.memref_slice %arg14[%dma_wait3A_122, %dma_wait3A_123] : memref<512x64xf32, #tpu.memory_space<vmem>> -> memref<128x64xf32, #tpu.memory_space<vmem>>
    %dma_wait3A_125 = arith.constant 0 : i32
    %dma_wait3A_126 = tpu.memref_slice %arg11[%dma_wait3A_121, %dma_wait3A_125] : memref<4x128xi32, #tpu.memory_space<vmem>> -> memref<1x128xi32, #tpu.memory_space<vmem>>
    %dma_wait3A_127 = tpu.memref_squeeze %dma_wait3A_126 : memref<1x128xi32, #tpu.memory_space<vmem>> -> memref<128xi32, #tpu.memory_space<vmem>>
    %dma_wait3A_128 = arith.constant 0 : i32
    %dma_wait3A_129 = arith.constant 0 : i32
    %dma_wait3A_130 = tpu.memref_slice %arg2[%dma_wait3A_128, %dma_wait3A_129] : memref<1000000x64xf32, #tpu.memory_space<hbm>> -> memref<1000000x64xf32, #tpu.memory_space<hbm>>
    tpu.wait_indirect_dma semaphore(%arg17 : memref<!tpu.dma_semaphore, #tpu.memory_space<semaphore_mem>>) src(%dma_wait3A_130 : memref<1000000x64xf32, #tpu.memory_space<hbm>>) dst(%dma_wait3A_124 : memref<128x64xf32, #tpu.memory_space<vmem>>)
    %dma_wait3A_131 = arith.constant 3 : i32
    %dma_wait3A_132 = arith.constant 384 : i32
    %dma_wait3A_133 = arith.constant 0 : i32
    %dma_wait3A_134 = tpu.memref_slice %arg14[%dma_wait3A_132, %dma_wait3A_133] : memref<512x64xf32, #tpu.memory_space<vmem>> -> memref<128x64xf32, #tpu.memory_space<vmem>>
    %dma_wait3A_135 = arith.constant 0 : i32
    %dma_wait3A_136 = tpu.memref_slice %arg11[%dma_wait3A_131, %dma_wait3A_135] : memref<4x128xi32, #tpu.memory_space<vmem>> -> memref<1x128xi32, #tpu.memory_space<vmem>>
    %dma_wait3A_137 = tpu.memref_squeeze %dma_wait3A_136 : memref<1x128xi32, #tpu.memory_space<vmem>> -> memref<128xi32, #tpu.memory_space<vmem>>
    %dma_wait3A_138 = arith.constant 0 : i32
    %dma_wait3A_139 = arith.constant 0 : i32
    %dma_wait3A_140 = tpu.memref_slice %arg2[%dma_wait3A_138, %dma_wait3A_139] : memref<1000000x64xf32, #tpu.memory_space<hbm>> -> memref<1000000x64xf32, #tpu.memory_space<hbm>>
    tpu.wait_indirect_dma semaphore(%arg17 : memref<!tpu.dma_semaphore, #tpu.memory_space<semaphore_mem>>) src(%dma_wait3A_140 : memref<1000000x64xf32, #tpu.memory_space<hbm>>) dst(%dma_wait3A_134 : memref<128x64xf32, #tpu.memory_space<vmem>>)
    %dma_start3A_141 = arith.constant 0 : i32
    %dma_start3A_142 = tpu.memref_slice %arg8[%mul3A_2, %dma_start3A_141] : memref<16384x64xf32, #tpu.memory_space<hbm>> -> memref<512x64xf32, #tpu.memory_space<hbm>>
    %dma_start3A_143 = arith.constant 0 : i32
    %dma_start3A_144 = tpu.memref_slice %arg8[%mul3A_2, %dma_start3A_143] : memref<16384x64xf32, #tpu.memory_space<hbm>> -> memref<512x64xf32, #tpu.memory_space<hbm>>
    tpu.enqueue_dma source(%arg14 : memref<512x64xf32, #tpu.memory_space<vmem>>) target(%dma_start3A_144 : memref<512x64xf32, #tpu.memory_space<hbm>>) target_semaphore(%arg20 : memref<!tpu.dma_semaphore, #tpu.memory_space<semaphore_mem>>)
    %dma_wait3A_145 = arith.constant 0 : i32
    %dma_wait3A_146 = arith.constant 0 : i32
    %dma_wait3A_147 = arith.constant 0 : i32
    %dma_wait3A_148 = tpu.memref_slice %arg15[%dma_wait3A_146, %dma_wait3A_147] : memref<512x64xf32, #tpu.memory_space<vmem>> -> memref<128x64xf32, #tpu.memory_space<vmem>>
    %dma_wait3A_149 = arith.constant 0 : i32
    %dma_wait3A_150 = tpu.memref_slice %arg12[%dma_wait3A_145, %dma_wait3A_149] : memref<4x128xi32, #tpu.memory_space<vmem>> -> memref<1x128xi32, #tpu.memory_space<vmem>>
    %dma_wait3A_151 = tpu.memref_squeeze %dma_wait3A_150 : memref<1x128xi32, #tpu.memory_space<vmem>> -> memref<128xi32, #tpu.memory_space<vmem>>
    %dma_wait3A_152 = arith.constant 0 : i32
    %dma_wait3A_153 = arith.constant 0 : i32
    %dma_wait3A_154 = tpu.memref_slice %arg3[%dma_wait3A_152, %dma_wait3A_153] : memref<100000x64xf32, #tpu.memory_space<hbm>> -> memref<100000x64xf32, #tpu.memory_space<hbm>>
    tpu.wait_indirect_dma semaphore(%arg18 : memref<!tpu.dma_semaphore, #tpu.memory_space<semaphore_mem>>) src(%dma_wait3A_154 : memref<100000x64xf32, #tpu.memory_space<hbm>>) dst(%dma_wait3A_148 : memref<128x64xf32, #tpu.memory_space<vmem>>)
    %dma_wait3A_155 = arith.constant 1 : i32
    %dma_wait3A_156 = arith.constant 128 : i32
    %dma_wait3A_157 = arith.constant 0 : i32
    %dma_wait3A_158 = tpu.memref_slice %arg15[%dma_wait3A_156, %dma_wait3A_157] : memref<512x64xf32, #tpu.memory_space<vmem>> -> memref<128x64xf32, #tpu.memory_space<vmem>>
    %dma_wait3A_159 = arith.constant 0 : i32
    %dma_wait3A_160 = tpu.memref_slice %arg12[%dma_wait3A_155, %dma_wait3A_159] : memref<4x128xi32, #tpu.memory_space<vmem>> -> memref<1x128xi32, #tpu.memory_space<vmem>>
    %dma_wait3A_161 = tpu.memref_squeeze %dma_wait3A_160 : memref<1x128xi32, #tpu.memory_space<vmem>> -> memref<128xi32, #tpu.memory_space<vmem>>
    %dma_wait3A_162 = arith.constant 0 : i32
    %dma_wait3A_163 = arith.constant 0 : i32
    %dma_wait3A_164 = tpu.memref_slice %arg3[%dma_wait3A_162, %dma_wait3A_163] : memref<100000x64xf32, #tpu.memory_space<hbm>> -> memref<100000x64xf32, #tpu.memory_space<hbm>>
    tpu.wait_indirect_dma semaphore(%arg18 : memref<!tpu.dma_semaphore, #tpu.memory_space<semaphore_mem>>) src(%dma_wait3A_164 : memref<100000x64xf32, #tpu.memory_space<hbm>>) dst(%dma_wait3A_158 : memref<128x64xf32, #tpu.memory_space<vmem>>)
    %dma_wait3A_165 = arith.constant 2 : i32
    %dma_wait3A_166 = arith.constant 256 : i32
    %dma_wait3A_167 = arith.constant 0 : i32
    %dma_wait3A_168 = tpu.memref_slice %arg15[%dma_wait3A_166, %dma_wait3A_167] : memref<512x64xf32, #tpu.memory_space<vmem>> -> memref<128x64xf32, #tpu.memory_space<vmem>>
    %dma_wait3A_169 = arith.constant 0 : i32
    %dma_wait3A_170 = tpu.memref_slice %arg12[%dma_wait3A_165, %dma_wait3A_169] : memref<4x128xi32, #tpu.memory_space<vmem>> -> memref<1x128xi32, #tpu.memory_space<vmem>>
    %dma_wait3A_171 = tpu.memref_squeeze %dma_wait3A_170 : memref<1x128xi32, #tpu.memory_space<vmem>> -> memref<128xi32, #tpu.memory_space<vmem>>
    %dma_wait3A_172 = arith.constant 0 : i32
    %dma_wait3A_173 = arith.constant 0 : i32
    %dma_wait3A_174 = tpu.memref_slice %arg3[%dma_wait3A_172, %dma_wait3A_173] : memref<100000x64xf32, #tpu.memory_space<hbm>> -> memref<100000x64xf32, #tpu.memory_space<hbm>>
    tpu.wait_indirect_dma semaphore(%arg18 : memref<!tpu.dma_semaphore, #tpu.memory_space<semaphore_mem>>) src(%dma_wait3A_174 : memref<100000x64xf32, #tpu.memory_space<hbm>>) dst(%dma_wait3A_168 : memref<128x64xf32, #tpu.memory_space<vmem>>)
    %dma_wait3A_175 = arith.constant 3 : i32
    %dma_wait3A_176 = arith.constant 384 : i32
    %dma_wait3A_177 = arith.constant 0 : i32
    %dma_wait3A_178 = tpu.memref_slice %arg15[%dma_wait3A_176, %dma_wait3A_177] : memref<512x64xf32, #tpu.memory_space<vmem>> -> memref<128x64xf32, #tpu.memory_space<vmem>>
    %dma_wait3A_179 = arith.constant 0 : i32
    %dma_wait3A_180 = tpu.memref_slice %arg12[%dma_wait3A_175, %dma_wait3A_179] : memref<4x128xi32, #tpu.memory_space<vmem>> -> memref<1x128xi32, #tpu.memory_space<vmem>>
    %dma_wait3A_181 = tpu.memref_squeeze %dma_wait3A_180 : memref<1x128xi32, #tpu.memory_space<vmem>> -> memref<128xi32, #tpu.memory_space<vmem>>
    %dma_wait3A_182 = arith.constant 0 : i32
    %dma_wait3A_183 = arith.constant 0 : i32
    %dma_wait3A_184 = tpu.memref_slice %arg3[%dma_wait3A_182, %dma_wait3A_183] : memref<100000x64xf32, #tpu.memory_space<hbm>> -> memref<100000x64xf32, #tpu.memory_space<hbm>>
    tpu.wait_indirect_dma semaphore(%arg18 : memref<!tpu.dma_semaphore, #tpu.memory_space<semaphore_mem>>) src(%dma_wait3A_184 : memref<100000x64xf32, #tpu.memory_space<hbm>>) dst(%dma_wait3A_178 : memref<128x64xf32, #tpu.memory_space<vmem>>)
    %dma_start3A_185 = arith.constant 0 : i32
    %dma_start3A_186 = tpu.memref_slice %arg9[%mul3A_2, %dma_start3A_185] : memref<16384x64xf32, #tpu.memory_space<hbm>> -> memref<512x64xf32, #tpu.memory_space<hbm>>
    %dma_start3A_187 = arith.constant 0 : i32
    %dma_start3A_188 = tpu.memref_slice %arg9[%mul3A_2, %dma_start3A_187] : memref<16384x64xf32, #tpu.memory_space<hbm>> -> memref<512x64xf32, #tpu.memory_space<hbm>>
    tpu.enqueue_dma source(%arg15 : memref<512x64xf32, #tpu.memory_space<vmem>>) target(%dma_start3A_188 : memref<512x64xf32, #tpu.memory_space<hbm>>) target_semaphore(%arg20 : memref<!tpu.dma_semaphore, #tpu.memory_space<semaphore_mem>>)
    %dma_wait3A_189 = arith.constant 0 : i32
    %dma_wait3A_190 = arith.constant 0 : i32
    %dma_wait3A_191 = arith.constant 0 : i32
    %dma_wait3A_192 = tpu.memref_slice %arg16[%dma_wait3A_190, %dma_wait3A_191] : memref<256x128xf32, #tpu.memory_space<vmem>> -> memref<128x128xf32, #tpu.memory_space<vmem>>
    %dma_wait3A_193 = arith.constant 0 : i32
    %dma_wait3A_194 = tpu.memref_slice %arg13[%dma_wait3A_189, %dma_wait3A_193] : memref<4x128xi32, #tpu.memory_space<vmem>> -> memref<1x128xi32, #tpu.memory_space<vmem>>
    %dma_wait3A_195 = tpu.memref_squeeze %dma_wait3A_194 : memref<1x128xi32, #tpu.memory_space<vmem>> -> memref<128xi32, #tpu.memory_space<vmem>>
    %dma_wait3A_196 = arith.constant 0 : i32
    %dma_wait3A_197 = arith.constant 0 : i32
    %dma_wait3A_198 = tpu.memref_slice %arg4[%dma_wait3A_196, %dma_wait3A_197] : memref<500000x128xf32, #tpu.memory_space<hbm>> -> memref<500000x128xf32, #tpu.memory_space<hbm>>
    tpu.wait_indirect_dma semaphore(%arg19 : memref<!tpu.dma_semaphore, #tpu.memory_space<semaphore_mem>>) src(%dma_wait3A_198 : memref<500000x128xf32, #tpu.memory_space<hbm>>) dst(%dma_wait3A_192 : memref<128x128xf32, #tpu.memory_space<vmem>>)
    %dma_wait3A_199 = arith.constant 1 : i32
    %dma_wait3A_200 = arith.constant 128 : i32
    %dma_wait3A_201 = arith.constant 0 : i32
    %dma_wait3A_202 = tpu.memref_slice %arg16[%dma_wait3A_200, %dma_wait3A_201] : memref<256x128xf32, #tpu.memory_space<vmem>> -> memref<128x128xf32, #tpu.memory_space<vmem>>
    %dma_wait3A_203 = arith.constant 0 : i32
    %dma_wait3A_204 = tpu.memref_slice %arg13[%dma_wait3A_199, %dma_wait3A_203] : memref<4x128xi32, #tpu.memory_space<vmem>> -> memref<1x128xi32, #tpu.memory_space<vmem>>
    %dma_wait3A_205 = tpu.memref_squeeze %dma_wait3A_204 : memref<1x128xi32, #tpu.memory_space<vmem>> -> memref<128xi32, #tpu.memory_space<vmem>>
    %dma_wait3A_206 = arith.constant 0 : i32
    %dma_wait3A_207 = arith.constant 0 : i32
    %dma_wait3A_208 = tpu.memref_slice %arg4[%dma_wait3A_206, %dma_wait3A_207] : memref<500000x128xf32, #tpu.memory_space<hbm>> -> memref<500000x128xf32, #tpu.memory_space<hbm>>
    tpu.wait_indirect_dma semaphore(%arg19 : memref<!tpu.dma_semaphore, #tpu.memory_space<semaphore_mem>>) src(%dma_wait3A_208 : memref<500000x128xf32, #tpu.memory_space<hbm>>) dst(%dma_wait3A_202 : memref<128x128xf32, #tpu.memory_space<vmem>>)
    %dma_start3A_209 = arith.constant 0 : i32
    %dma_start3A_210 = tpu.memref_slice %arg10[%mul3A_2, %dma_start3A_209] : memref<16384x128xf32, #tpu.memory_space<hbm>> -> memref<256x128xf32, #tpu.memory_space<hbm>>
    %dma_start3A_211 = arith.constant 0 : i32
    %dma_start3A_212 = tpu.memref_slice %arg10[%mul3A_2, %dma_start3A_211] : memref<16384x128xf32, #tpu.memory_space<hbm>> -> memref<256x128xf32, #tpu.memory_space<hbm>>
    tpu.enqueue_dma source(%arg16 : memref<256x128xf32, #tpu.memory_space<vmem>>) target(%dma_start3A_212 : memref<256x128xf32, #tpu.memory_space<hbm>>) target_semaphore(%arg21 : memref<!tpu.dma_semaphore, #tpu.memory_space<semaphore_mem>>)
    %dma_wait3A_213 = arith.constant 0 : i32
    %dma_wait3A_214 = tpu.memref_slice %arg10[%mul3A_2, %dma_wait3A_213] : memref<16384x128xf32, #tpu.memory_space<hbm>> -> memref<256x128xf32, #tpu.memory_space<hbm>>
    %dma_wait3A_215 = arith.constant 0 : i32
    %dma_wait3A_216 = tpu.memref_slice %arg10[%mul3A_2, %dma_wait3A_215] : memref<16384x128xf32, #tpu.memory_space<hbm>> -> memref<256x128xf32, #tpu.memory_space<hbm>>
    tpu.wait_dma2 semaphore(%arg21 : memref<!tpu.dma_semaphore, #tpu.memory_space<semaphore_mem>>) src(%arg16 : memref<256x128xf32, #tpu.memory_space<vmem>>) dst(%dma_wait3A_216 : memref<256x128xf32, #tpu.memory_space<hbm>>)
    %dma_start3A_217 = arith.constant 2 : i32
    %dma_start3A_218 = arith.constant 0 : i32
    %dma_start3A_219 = arith.constant 0 : i32
    %dma_start3A_220 = tpu.memref_slice %arg16[%dma_start3A_218, %dma_start3A_219] : memref<256x128xf32, #tpu.memory_space<vmem>> -> memref<128x128xf32, #tpu.memory_space<vmem>>
    %dma_start3A_221 = arith.constant 0 : i32
    %dma_start3A_222 = tpu.memref_slice %arg13[%dma_start3A_217, %dma_start3A_221] : memref<4x128xi32, #tpu.memory_space<vmem>> -> memref<1x128xi32, #tpu.memory_space<vmem>>
    %dma_start3A_223 = tpu.memref_squeeze %dma_start3A_222 : memref<1x128xi32, #tpu.memory_space<vmem>> -> memref<128xi32, #tpu.memory_space<vmem>>
    %dma_start3A_224 = arith.constant 0 : i32
    %dma_start3A_225 = arith.constant 0 : i32
    %dma_start3A_226 = tpu.memref_slice %arg4[%dma_start3A_224, %dma_start3A_225] : memref<500000x128xf32, #tpu.memory_space<hbm>> -> memref<500000x128xf32, #tpu.memory_space<hbm>>
    tpu.enqueue_indirect_dma source(%dma_start3A_226 : memref<500000x128xf32, #tpu.memory_space<hbm>>) target(%dma_start3A_220 : memref<128x128xf32, #tpu.memory_space<vmem>>) offsets(%dma_start3A_223 : memref<128xi32, #tpu.memory_space<vmem>>) semaphore(%arg19 : memref<!tpu.dma_semaphore, #tpu.memory_space<semaphore_mem>>)
    %dma_start3A_227 = arith.constant 3 : i32
    %dma_start3A_228 = arith.constant 128 : i32
    %dma_start3A_229 = arith.constant 0 : i32
    %dma_start3A_230 = tpu.memref_slice %arg16[%dma_start3A_228, %dma_start3A_229] : memref<256x128xf32, #tpu.memory_space<vmem>> -> memref<128x128xf32, #tpu.memory_space<vmem>>
    %dma_start3A_231 = arith.constant 0 : i32
    %dma_start3A_232 = tpu.memref_slice %arg13[%dma_start3A_227, %dma_start3A_231] : memref<4x128xi32, #tpu.memory_space<vmem>> -> memref<1x128xi32, #tpu.memory_space<vmem>>
    %dma_start3A_233 = tpu.memref_squeeze %dma_start3A_232 : memref<1x128xi32, #tpu.memory_space<vmem>> -> memref<128xi32, #tpu.memory_space<vmem>>
    %dma_start3A_234 = arith.constant 0 : i32
    %dma_start3A_235 = arith.constant 0 : i32
    %dma_start3A_236 = tpu.memref_slice %arg4[%dma_start3A_234, %dma_start3A_235] : memref<500000x128xf32, #tpu.memory_space<hbm>> -> memref<500000x128xf32, #tpu.memory_space<hbm>>
    tpu.enqueue_indirect_dma source(%dma_start3A_236 : memref<500000x128xf32, #tpu.memory_space<hbm>>) target(%dma_start3A_230 : memref<128x128xf32, #tpu.memory_space<vmem>>) offsets(%dma_start3A_233 : memref<128xi32, #tpu.memory_space<vmem>>) semaphore(%arg19 : memref<!tpu.dma_semaphore, #tpu.memory_space<semaphore_mem>>)
    %dma_wait3A_237 = arith.constant 2 : i32
    %dma_wait3A_238 = arith.constant 0 : i32
    %dma_wait3A_239 = arith.constant 0 : i32
    %dma_wait3A_240 = tpu.memref_slice %arg16[%dma_wait3A_238, %dma_wait3A_239] : memref<256x128xf32, #tpu.memory_space<vmem>> -> memref<128x128xf32, #tpu.memory_space<vmem>>
    %dma_wait3A_241 = arith.constant 0 : i32
    %dma_wait3A_242 = tpu.memref_slice %arg13[%dma_wait3A_237, %dma_wait3A_241] : memref<4x128xi32, #tpu.memory_space<vmem>> -> memref<1x128xi32, #tpu.memory_space<vmem>>
    %dma_wait3A_243 = tpu.memref_squeeze %dma_wait3A_242 : memref<1x128xi32, #tpu.memory_space<vmem>> -> memref<128xi32, #tpu.memory_space<vmem>>
    %dma_wait3A_244 = arith.constant 0 : i32
    %dma_wait3A_245 = arith.constant 0 : i32
    %dma_wait3A_246 = tpu.memref_slice %arg4[%dma_wait3A_244, %dma_wait3A_245] : memref<500000x128xf32, #tpu.memory_space<hbm>> -> memref<500000x128xf32, #tpu.memory_space<hbm>>
    tpu.wait_indirect_dma semaphore(%arg19 : memref<!tpu.dma_semaphore, #tpu.memory_space<semaphore_mem>>) src(%dma_wait3A_246 : memref<500000x128xf32, #tpu.memory_space<hbm>>) dst(%dma_wait3A_240 : memref<128x128xf32, #tpu.memory_space<vmem>>)
    %dma_wait3A_247 = arith.constant 3 : i32
    %dma_wait3A_248 = arith.constant 128 : i32
    %dma_wait3A_249 = arith.constant 0 : i32
    %dma_wait3A_250 = tpu.memref_slice %arg16[%dma_wait3A_248, %dma_wait3A_249] : memref<256x128xf32, #tpu.memory_space<vmem>> -> memref<128x128xf32, #tpu.memory_space<vmem>>
    %dma_wait3A_251 = arith.constant 0 : i32
    %dma_wait3A_252 = tpu.memref_slice %arg13[%dma_wait3A_247, %dma_wait3A_251] : memref<4x128xi32, #tpu.memory_space<vmem>> -> memref<1x128xi32, #tpu.memory_space<vmem>>
    %dma_wait3A_253 = tpu.memref_squeeze %dma_wait3A_252 : memref<1x128xi32, #tpu.memory_space<vmem>> -> memref<128xi32, #tpu.memory_space<vmem>>
    %dma_wait3A_254 = arith.constant 0 : i32
    %dma_wait3A_255 = arith.constant 0 : i32
    %dma_wait3A_256 = tpu.memref_slice %arg4[%dma_wait3A_254, %dma_wait3A_255] : memref<500000x128xf32, #tpu.memory_space<hbm>> -> memref<500000x128xf32, #tpu.memory_space<hbm>>
    tpu.wait_indirect_dma semaphore(%arg19 : memref<!tpu.dma_semaphore, #tpu.memory_space<semaphore_mem>>) src(%dma_wait3A_256 : memref<500000x128xf32, #tpu.memory_space<hbm>>) dst(%dma_wait3A_250 : memref<128x128xf32, #tpu.memory_space<vmem>>)
    %add3A_257 = arith.constant 256 : i32
    %add3A_258 = arith.addi %mul3A_2, %add3A_257 : i32
    %dma_start3A_259 = arith.constant 0 : i32
    %dma_start3A_260 = tpu.memref_slice %arg10[%add3A_258, %dma_start3A_259] : memref<16384x128xf32, #tpu.memory_space<hbm>> -> memref<256x128xf32, #tpu.memory_space<hbm>>
    %dma_start3A_261 = arith.constant 0 : i32
    %dma_start3A_262 = tpu.memref_slice %arg10[%add3A_258, %dma_start3A_261] : memref<16384x128xf32, #tpu.memory_space<hbm>> -> memref<256x128xf32, #tpu.memory_space<hbm>>
    tpu.enqueue_dma source(%arg16 : memref<256x128xf32, #tpu.memory_space<vmem>>) target(%dma_start3A_262 : memref<256x128xf32, #tpu.memory_space<hbm>>) target_semaphore(%arg21 : memref<!tpu.dma_semaphore, #tpu.memory_space<semaphore_mem>>)
    %dma_wait3A_263 = arith.constant 0 : i32
    %dma_wait3A_264 = tpu.memref_slice %arg8[%mul3A_2, %dma_wait3A_263] : memref<16384x64xf32, #tpu.memory_space<hbm>> -> memref<512x64xf32, #tpu.memory_space<hbm>>
    %dma_wait3A_265 = arith.constant 0 : i32
    %dma_wait3A_266 = tpu.memref_slice %arg8[%mul3A_2, %dma_wait3A_265] : memref<16384x64xf32, #tpu.memory_space<hbm>> -> memref<512x64xf32, #tpu.memory_space<hbm>>
    tpu.wait_dma2 semaphore(%arg20 : memref<!tpu.dma_semaphore, #tpu.memory_space<semaphore_mem>>) src(%arg14 : memref<512x64xf32, #tpu.memory_space<vmem>>) dst(%dma_wait3A_266 : memref<512x64xf32, #tpu.memory_space<hbm>>)
    %dma_wait3A_267 = arith.constant 0 : i32
    %dma_wait3A_268 = tpu.memref_slice %arg9[%mul3A_2, %dma_wait3A_267] : memref<16384x64xf32, #tpu.memory_space<hbm>> -> memref<512x64xf32, #tpu.memory_space<hbm>>
    %dma_wait3A_269 = arith.constant 0 : i32
    %dma_wait3A_270 = tpu.memref_slice %arg9[%mul3A_2, %dma_wait3A_269] : memref<16384x64xf32, #tpu.memory_space<hbm>> -> memref<512x64xf32, #tpu.memory_space<hbm>>
    tpu.wait_dma2 semaphore(%arg20 : memref<!tpu.dma_semaphore, #tpu.memory_space<semaphore_mem>>) src(%arg15 : memref<512x64xf32, #tpu.memory_space<vmem>>) dst(%dma_wait3A_270 : memref<512x64xf32, #tpu.memory_space<hbm>>)
    %dma_wait3A_271 = arith.constant 0 : i32
    %dma_wait3A_272 = tpu.memref_slice %arg10[%add3A_258, %dma_wait3A_271] : memref<16384x128xf32, #tpu.memory_space<hbm>> -> memref<256x128xf32, #tpu.memory_space<hbm>>
    %dma_wait3A_273 = arith.constant 0 : i32
    %dma_wait3A_274 = tpu.memref_slice %arg10[%add3A_258, %dma_wait3A_273] : memref<16384x128xf32, #tpu.memory_space<hbm>> -> memref<256x128xf32, #tpu.memory_space<hbm>>
    tpu.wait_dma2 semaphore(%arg21 : memref<!tpu.dma_semaphore, #tpu.memory_space<semaphore_mem>>) src(%arg16 : memref<256x128xf32, #tpu.memory_space<vmem>>) dst(%dma_wait3A_274 : memref<256x128xf32, #tpu.memory_space<hbm>>)
    return
  }
}

</mosaic_0001>

<sc_bundles>
// kernel: kernel.3.cloned.1.call-start
scs
__scs_entry_jumppad:
0x0: {  	(pc) =	sbr.rel $0x88, $3  }
0x1: {  	(tag) =	ssettag $0x0;
	lr =	simm.s32 $0x1  }
0x2: {  	[smem:$0x3F9B] =	sst lr;
	_ =	strace $0xD0000000  }
0x3: {  	_ = 	snop  }
0x4: {  	_ = 	snop  }
0x5: {  	_ = 	snop  }
0x6: {  	_ = 	snop  }
0x7: {  	_ = 	snop  }
__scs_overlays_trampoline_lowered:
0x8: {  	[smem:$0x3FAA] =	sst s0  }
0x9: {  	[smem:$0x3FAB] =	sst s1  }
0xa: {  	[smem:$0x3FAC] =	sst s2  }
0xb: {  	[smem:$0x3FAD] =	sst s3  }
0xc: {  	[smem:$0x3FAE] =	sst s4  }
0xd: {  	[smem:$0x3FAF] =	sst s5  }
0xe: {  	[smem:$0x3FB0] =	sst s6  }
0xf: {  	[smem:$0x3FB1] =	sst s7  }
0x10: {  	[smem:$0x3FB2] =	sst s8  }
0x11: {  	[smem:$0x3FB3] =	sst s9;
	s0 =	simm.s32 @!p0 $0x0  }
0x12: {  	s1 =	sld [smem:$0x3F99];
	s0 =	simm.s32 @p0 $0x1  }
0x13: {  	[smem:$0x3FB4] =	sst s0;
	s0 =	simm.s32 @!p1 $0x0  }
0x14: {  	s2 =	sld [smem:$0x3F98];
	s0 =	simm.s32 @p1 $0x1  }
0x15: {  	[smem:$0x3FB5] =	sst s0;
	s0 =	simm.s32 @!p2 $0x0  }
0x16: {  	s3 =	sld [smem:$0x3FDB];
	s0 =	simm.s32 @p2 $0x1  }
0x17: {  	s4 =	simm.s32 $0x1BF5;
	[smem:$0x3FB7] =	sst s0  }
0x18: {  	s0 =	sld [smem:$0x3F9A];
	_ =	swait.ge [sflag:s4], $0x0  }
0x19: {  	s7 =	sld [smem:$0x3F9B]  }
0x1a: {  	s8 =	sadd.s32 $0xFFFFE003, lr  }
0x1b: {  	s9 =	sadd.s32 $0xFFFFFEF7, lr;
	s5 =	simm.s32 $0xFFFFFFFF;
	p2 =	slt.u32 s8, $0xFFFFF086  }
0x1c: {  	p1 =	slt.u32 s9, $0xF7A;
	s5 =	simm.s32 @!p2 $0x0  }
0x1d: {  	s5 =	simm.s32 @p1 $0x1;
	p0 =	seq.s32 s7, s2  }
0x1e: {  	s7 =	smul.u32 @!p0 $0xF7A, s2;
	p2 =	seq.s32 @!p0 s5, $0x0  }
0x1f: {  	s9 =	smul.u32 $0xF7A, s1;
	s8 =	simm.s32 @!p0 $0x1BF5;
	p2 =	por !p2, p0  }
0x20: {  	[sflag:s8] =	ssyncset.s32 @!p0 $0xFFFFF086;
	s6 =	sadd.s32 @!p0 s3, s7;
	s7 =	simm.s32 @!p0 $0x108  }
0x21: {  	s3 =	sadd.s32 s3, s9;
	s6 =	sadd.s32 @!p0 $0x88, s6;
	s7 =	simm.s32 @p2 $0x1082  }
0x22: {  	[simem:s7], [sflag:s8] =	dma.local @!p0 [hbm:s6], $0xF7A  }
0x23: {  	s9 =	sor.u32 $0xD0000000, s2;
	s6 =	simm.s32 $0x108;
	_ =	swait.ge @!p0 [sflag:s8], $0x0  }
0x24: {  	s3 =	sadd.s32 $0x88, s3;
	s6 =	simm.s32 @!p1 $0x1082;
	[sflag:s4] =	ssyncset.s32 $0xFFFFF086  }
0x25: {  	[simem:s6], [sflag:s4] =	dma.local [hbm:s3], $0xF7A  }
0x26: {  	[smem:$0x3F9B] =	sst s1;
	(tag) =	ssettag s2;
	_ =	strace s9  }
0x27: {  	s1 =	sld [smem:$0x3FAB]  }
0x28: {  	s2 =	sld [smem:$0x3FAC]  }
0x29: {  	s4 =	sld [smem:$0x3FAE]  }
0x2a: {  	p0 =	seq.s32 s5, $0x0;
	s5 =	sld [smem:$0x3FAF]  }
0x2b: {  	s6 =	sld [smem:$0x3FB0]  }
0x2c: {  	s7 =	sld [smem:$0x3FB1]  }
0x2d: {  	s3 =	simm.s32 $0x108;
	s8 =	sld [smem:$0x3FB2]  }
0x2e: {  	s3 =	simm.s32 @!p0 $0x1082;
	s9 =	sld [smem:$0x3FB3]  }
0x2f: {  	lr =	sadd.s32 s0, s3;
	s0 =	sld [smem:$0x3FAA]  }
0x30: {  	s3 =	sld [smem:$0x3FAD]  }
0x31: {  	[smem:$0x3FB6] =	sst s10  }
0x32: {  	s10 =	sld [smem:$0x3FB4];
	_ =	sdelay $0x3  }
0x33: {  	p0 =	seq.s32 s10, $0x1;
	s10 =	sld [smem:$0x3FB6];
	_ =	sdelay $0x3  }
0x34: {  	[smem:$0x3FB6] =	sst s10  }
0x35: {  	s10 =	sld [smem:$0x3FB5];
	_ =	sdelay $0x3  }
0x36: {  	p1 =	seq.s32 s10, $0x1;
	s10 =	sld [smem:$0x3FB6];
	_ =	sdelay $0x3  }
0x37: {  	[smem:$0x3FB6] =	sst s10  }
0x38: {  	s10 =	sld [smem:$0x3FB7]  }
0x39: {  	_ = 	snop;
	(pc) =	sbr.ind lr, $3  }
0x3a: {  	_ = 	snop  }
0x3b: {  	_ = 	snop  }
0x3c: {  	p2 =	seq.s32 s10, $0x1;
	s10 =	sld [smem:$0x3FB6]  }
0x3d: {  	_ =	shalt  }
0x3e: {  	_ =	shalt  }
0x3f: {  	_ =	shalt  }
0x40: {  	_ =	shalt  }
0x41: {  	_ =	shalt  }
0x42: {  	_ =	shalt  }
0x43: {  	_ =	shalt  }
0x44: {  	_ =	shalt  }
0x45: {  	_ =	shalt  }
0x46: {  	_ =	shalt  }
0x47: {  	_ =	shalt  }
0x48: {  	_ =	shalt  }
0x49: {  	_ =	shalt  }
0x4a: {  	_ =	shalt  }
0x4b: {  	_ =	shalt  }
0x4c: {  	_ =	shalt  }
0x4d: {  	_ =	shalt  }
0x4e: {  	_ =	shalt  }
0x4f: {  	_ =	shalt  }
0x50: {  	_ =	shalt  }
0x51: {  	_ =	shalt  }
0x52: {  	_ =	shalt  }
0x53: {  	_ =	shalt  }
0x54: {  	_ =	shalt  }
0x55: {  	_ =	shalt  }
0x56: {  	_ =	shalt  }
0x57: {  	_ =	shalt  }
0x58: {  	_ =	shalt  }
0x59: {  	_ =	shalt  }
0x5a: {  	_ =	shalt  }
0x5b: {  	_ =	shalt  }
0x5c: {  	_ =	shalt  }
0x5d: {  	_ =	shalt  }
0x5e: {  	_ =	shalt  }
0x5f: {  	_ =	shalt  }
0x60: {  	_ =	shalt  }
0x61: {  	_ =	shalt  }
0x62: {  	_ =	shalt  }
0x63: {  	_ =	shalt  }
0x64: {  	_ =	shalt  }
0x65: {  	_ =	shalt  }
0x66: {  	_ =	shalt  }
0x67: {  	_ =	shalt  }
0x68: {  	_ =	shalt  }
0x69: {  	_ =	shalt  }
0x6a: {  	_ =	shalt  }
0x6b: {  	_ =	shalt  }
0x6c: {  	_ =	shalt  }
0x6d: {  	_ =	shalt  }
0x6e: {  	_ =	shalt  }
0x6f: {  	_ =	shalt  }
0x70: {  	_ =	shalt  }
0x71: {  	_ =	shalt  }
0x72: {  	_ =	shalt  }
0x73: {  	_ =	shalt  }
0x74: {  	_ =	shalt  }
0x75: {  	_ =	shalt  }
0x76: {  	_ =	shalt  }
0x77: {  	_ =	shalt  }
0x78: {  	_ =	shalt  }
0x79: {  	_ =	shalt  }
0x7a: {  	_ =	shalt  }
0x7b: {  	_ =	shalt  }
0x7c: {  	_ =	shalt  }
0x7d: {  	_ =	shalt  }
0x7e: {  	_ =	shalt  }
0x7f: {  	_ =	shalt  }
0x80: {  	_ =	shalt  }
0x81: {  	_ =	shalt  }
0x82: {  	_ =	shalt  }
0x83: {  	_ =	shalt  }
0x84: {  	_ =	shalt  }
0x85: {  	_ =	shalt  }
0x86: {  	_ =	shalt  }
0x87: {  	_ =	shalt  }
.Lfunc_end0:
.L_simem_size_0:
called_computation_lowered:
.L_overlay_start_0:
0x88: {  	s2 =	sld [smem:$0x3FD9]  }
0x89: {  	s3 =	sld [smem:$0x3FFE];
	_ =	sdelay $0x1  }
0x8a: {  	s1 =	srdreg.scid  }
0x8b: {  	s0 =	sand.u32 $0x1, s1  }
0x8c: {  	s14 =	sshll.u32 s0, $0xA;
	s2 =	sadd.s32 s3, s2  }
0x8d: {  	s2 =	sadd.s32 s2, s14  }
0x8e: {  	[smem:$0x3FC2] =	sst s2  }
0x8f: {  	_ = 	snop  }
0x90: {  	s2 =	sld [smem:$0x3FD0];
	_ =	sdelay $0x1  }
0x91: {  	s15 =	sld [smem:$0x3FC6]  }
0x92: {  	s5 =	simm.s32 $0xA;
	s6 =	simm.s32 $0x10;
	s4 =	sld [smem:$0x3FC4]  }
0x93: {  	[smem:s6], [sflag:s5] =	dma.local [hbm:s2], $0x1  }
0x94: {  	_ =	swait.eq [sflag:s5], $0x1  }
0x95: {  	s16 =	sld [smem:$0x10];
	[sflag:s5] =	ssyncset.done $0x0  }
0x96: {  	s17 =	sld [smem:$0x11];
	[sflag:s5] =	ssyncadd.s32 $0xFFFFFFFF  }
0x97: {  	s18 =	sld [smem:$0x12];
	(tm) =	ssettm $0x1  }
0x98: {  	s7 =	sld [smem:$0x3FFB];
	_ =	sdelay $0x3  }
0x99: {  	_ =	strace s7  }
0x9a: {  	s7 =	sld [smem:$0x3FFC];
	_ =	sdelay $0x3  }
0x9b: {  	_ =	strace s7  }
0x9c: {  	s7 =	sld [smem:$0x3FFD];
	_ =	sdelay $0x3  }
0x9d: {  	_ =	strace s7  }
0x9e: {  	_ =	strace $0x8FFFFFFF  }
0x9f: {  	s19 =	sld [smem:$0x3FDB];
	_ =	sdelay $0x1  }
0xa0: {  	s8 =	simm.s32 $_scs_section_size  }
0xa1: {  	s9 =	simm.s32 $_size__tile_overlayer_lowered;
	s10 =	simm.s32 $_tile_overlayer_lowered  }
0xa2: {  	s22 =	simm.s32 $0x1BFF;
	s21 =	sshll.u32 s10, $0x1;
	s7 =	sadd.s32 s8, s19  }
0xa3: {  	s11 =	simm.s32 $0x0;
	s20 =	sshll.u32 s9, $0x1;
	s9 =	sadd.s32 s21, s7  }
0xa4: {  	[timem:s11], [sflag:s22] =	dma.local [hbm:s9], s20  }
0xa5: {  	_ =	swait.ge [sflag:s22], s20  }
0xa6: {  	s8 =	ssub.s32 $0x0, s20;
	[sflag:s22] =	ssyncset.done $0x0  }
0xa7: {  	[sflag:s22] =	ssyncadd.s32 s8;
	_ =	sdelay $0x1  }
0xa8: {  	s23 =	simm.s32 $0x1B8B  }
0xa9: {  	_ =	swait.ge [sflag:s23], $0x1  }
0xaa: {  	[sflag:s23] =	ssyncset.done $0x0  }
0xab: {  	s25 =	simm.s32 $0x1B8E;
	s24 =	sld [smem:$0x3FFE];
	[sflag:s23] =	ssyncadd.s32 $0xFFFFFFFF  }
0xac: {  	s26 =	simm.s32 $execute0_lowered;
	[smem:$0x3FD2] =	sst s25  }
0xad: {  	s9 =	sshll.u32 s26, $0x1;
	_ =	strace $0x80000046;
	[dreg:$0x1] =	wrdreg $0xFFFFFFFF  }
0xae: {  	s28 =	simm.s32 $_size_execute0_lowered;
	s7 =	sadd.s32 s7, s9;
	[dreg:$0x0] =	wrdreg $0x0  }
0xaf: {  	s9 =	sshll.u32 s28, $0x1;
	[dreg:$0x2] =	wrdreg s7  }
0xb0: {  	[dreg:$0x3] =	wrdreg s9  }
0xb1: {  	[dreg:$0x4] =	wrdreg $0xC0  }
0xb2: {  	_ =	task [dreg:s11], $0x5FFFF  }
0xb3: {  	[dreg:$0x1] =	wrdreg $0xFFFFFFFF  }
0xb4: {  	[dreg:$0x0] =	wrdreg $0x60  }
0xb5: {  	[dreg:$0x2] =	wrdreg s24  }
0xb6: {  	[dreg:$0x3] =	wrdreg s15  }
0xb7: {  	[dreg:$0x4] =	wrdreg s4  }
0xb8: {  	[dreg:$0x5] =	wrdreg s17  }
0xb9: {  	[dreg:$0x6] =	wrdreg s16  }
0xba: {  	[dreg:$0x7] =	wrdreg s18  }
0xbb: {  	[dreg:$0x8] =	wrdreg $0x9  }
0xbc: {  	_ =	task.clear_ibuf [dreg:s11], $0x9FFFF;
	_ =	strace $0x90000046  }
0xbd: {  	s29 =	simm.s32 $0x9;
	_ =	strace $0x80000048  }
0xbe: {  	_ =	swait.ge [sflag:s29], $0x1  }
0xbf: {  	[sflag:s29] =	ssyncadd.s32 $0xFFFFFFFF  }
0xc0: {  	_ =	strace $0x90000048  }
0xc1: {  	_ =	sfence  }
0xc2: {  	s30 =	sld [smem:$0x0];
	_ =	sdelay $0x2  }
0xc3: {  	s31 =	sshll.u32 s1, $0xD;
	s1 =	sshrl.u32 s1, $0x2  }
0xc4: {  	s3 =	sand.u32 $0x4000, s31;
	s1 =	sadd.s32 s1, s30  }
0xc5: {  	s0 =	sor.u32 s3, s0;
	s1 =	sshll.u32 s1, $0x11  }
0xc6: {  	s0 =	sor.u32 s1, s0  }
0xc7: {  	s0 =	sadd.s32 $0x8F2B, s0  }
0xc8: {  	[sflag:s0] =	ssyncadd.remote.s32 $0x1  }
0xc9: {  	_ =	sfence.sel $0xFFFF  }
0xca: {  	[dreg:$0x0] =	wrdreg $0xFFFFFFFF;
	(pc) =	sbr.abs _section_cstart, $3  }
0xcb: {  	[dreg:$0x1] =	wrdreg $0xFFFFFFFF  }
0xcc: {  	_ =	task.clear_ibuf [dreg:s11], $0x2FFFF;
	_ =	strace $0x9FFFFFFF  }
0xcd: {  	(tm) =	ssettm $0x7FFFFFFF  }
tec
execute0_lowered:
.L_overlay_start_1:
0x0: {  	(tag) =	ssettag $0x1  }
0x1: {  	s0 =	rddreg [dreg:$0x0]  }
0x2: {  	s1 =	rddreg [dreg:$0x1]  }
0x3: {  	s3 =	rddreg [dreg:$0x2]  }
0x4: {  	s4 =	rddreg [dreg:$0x3]  }
0x5: {  	s5 =	rddreg [dreg:$0x4]  }
0x6: {  	s6 =	rddreg [dreg:$0x5]  }
0x7: {  	s2 =	srdreg.scid;
	s13 =	rddreg [dreg:$0x6]  }
0x8: {  	s8 =	stileid.u32;
	s25 =	simm.s32 $0x2600;
	s26 =	simm.s32 $0x100  }
0x9: {  	s23 =	simm.s32 $0x180;
	s24 =	simm.s32 $0x6600;
	s28 =	simm.s32 $0x300  }
0xa: {  	s29 =	simm.s32 $0xC600;
	s30 =	simm.s32 $0x380;
	s31 =	simm.s32 $0xE600  }
0xb: {  	s22 =	simm.s32 $0x480;
	p0 =	por $0x0, $0x0;
	s7 =	sand.u32 $0x1, s2  }
0xc: {  	s2 =	simm.s32 $0x0;
	s8 =	sshll.u32 s8, $0xA;
	s11 =	sadd.s32 $0x16E4600, s0  }
0xd: {  	s9 =	sshll.u32 s7, $0x9;
	[smem:$0x7FF] =	sst s2;
	s16 =	ssub.s32 $0x2, s7  }
0xe: {  	s7 =	simm.s32 $0x4;
	s9 =	sor.u32 s9, s8;
	_ =	strace $0x80000047  }
0xf: {  	s8 =	sadd.s32 $0x187A00, s0;
	s18 =	sshrl.u32 s16, $0x1;
	[dreg:$0xe] =	wrdreg s25  }
0x10: {  	[dreg:$0xf] =	wrdreg s26;
	s25 =	simm.s32 $0x280;
	s10 =	sshrl.u32 s9, $0x3  }
0x11: {  	s26 =	simm.s32 $0xA600;
	s12 =	sshll.u32 s9, $0x4;
	s1 =	sadd.s32 s1, s10  }
0x12: {  	s3 =	sadd.s32 s3, s10;
	s4 =	sadd.s32 s4, s10;
	[dreg:$0x7] =	wrdreg s1  }
0x13: {  	s10 =	sshll.u32 s9, $0x3;
	s14 =	sadd.s32 s12, s0;
	[dreg:$0x8] =	wrdreg s3  }
0x14: {  	s12 =	simm.s32 $0x8600;
	s9 =	simm.s32 $0x3;
	[dreg:$0x9] =	wrdreg s4  }
0x15: {  	s15 =	sadd.s32 s5, s10;
	s17 =	sadd.s32 s6, s10;
	s19 =	sadd.s32 $0x1000, s14  }
0x16: {  	s5 =	ssub.s32 s16, s18;
	s20 =	sadd.s32 $0x2000, s14;
	s3 =	sadd.s32 $0xF43400, s0  }
0x17: {  	s18 =	simm.s32 $0x200;
	s4 =	simm.s32 $0x80;
	s21 =	smax.u32 s5, $0x1  }
0x18: {  	s10 =	simm.s32 $0x14600;
	[dreg:$0xa] =	wrdreg s15;
	p1 =	sne.s32 s21, $0x1  }
.Ltmp0:
0x19: {  	s16 =	simm.s32 $0x2;
	[dreg:$0xb] =	wrdreg s17;
	(pc) =	sbr.rel @!p1 .LBB2_1-.Ltmp0, $4  }
0x1a: {  	s6 =	simm.s32 $0x5;
	s14 =	simm.s32 $0x500;
	[dreg:$0xc] =	wrdreg s19  }
0x1b: {  	[dreg:$0xd] =	wrdreg s20;
	s20 =	simm.s32 $0x6;
	s17 =	simm.s32 $0x400  }
0x1c: {  	s15 =	simm.s32 $0x600;
	s5 =	simm.s32 $0x10600;
	s19 =	simm.s32 $0x1  }
0x1d: {  	s1 =	rddreg [dreg:$0x7];
	s0 =	sadd.s32 $0xFFFFFFFF, s21;
	s21 =	simm.s32 $0x580  }
0x1e: {  	[tilespmem:s2], [sflag:$0x6] =	stream.linear.gather [hbm4b:s1+s2], $0x200, $0x38;
	[tilespmem:$0x18600] =	vst v63  }
0x1f: {  	_ =	swait.ge [sflag:s20], $0x200  }
0x20: {  	[sflag:s20] =	ssyncset.done $0x0  }
0x21: {  	s13 =	rddreg [dreg:$0x8];
	[sflag:s20] =	ssyncadd.s32 $0xFFFFFE00  }
0x22: {  	[tilespmem:s18], [sflag:$0x6] =	stream.linear.gather [hbm4b:s13+s2], $0x200, $0x38;
	[tilespmem:$0x18600] =	vst v63  }
0x23: {  	_ =	swait.ge [sflag:s20], $0x200  }
0x24: {  	[sflag:s20] =	ssyncset.done $0x0  }
0x25: {  	s13 =	rddreg [dreg:$0x9];
	[sflag:s20] =	ssyncadd.s32 $0xFFFFFE00  }
0x26: {  	[tilespmem:s17], [sflag:$0x6] =	stream.linear.gather [hbm4b:s13+s2], $0x200, $0x38;
	[tilespmem:$0x18600] =	vst v63  }
0x27: {  	_ =	swait.ge [sflag:s20], $0x200  }
0x28: {  	[sflag:s20] =	ssyncset.done $0x0  }
0x29: {  	[sflag:s20] =	ssyncadd.s32 $0xFFFFFE00  }
0x2a: {  	[tilespmem:s15], [sflag:$0x1] =	stream.indirect.gather [hbm4b:s11+s4], $0x40, s2, s4, $0xb8;
	[tilespmem:$0x18600] =	vst v63  }
0x2b: {  	s1 =	rddreg [dreg:$0xe]  }
0x2c: {  	[tilespmem:s1], [sflag:$0x1] =	stream.indirect.gather [hbm4b:s11+s4], $0x40, s4, s4, $0xb8;
	[tilespmem:$0x18600] =	vst v63  }
0x2d: {  	s13 =	smov.u32 s0;
	s0 =	rddreg [dreg:$0xf];
	s1 =	simm.s32 $0x4600  }
0x2e: {  	[tilespmem:s1], [sflag:$0x1] =	stream.indirect.gather [hbm4b:s11+s4], $0x40, s0, s4, $0xb8;
	[tilespmem:$0x18600] =	vst v63  }
0x2f: {  	_ = 	snop  }
0x30: {  	[tilespmem:s24], [sflag:$0x1] =	stream.indirect.gather [hbm4b:s11+s4], $0x40, s23, s4, $0xb8;
	[tilespmem:$0x18600] =	vst v63  }
0x31: {  	_ = 	snop  }
0x32: {  	[tilespmem:s12], [sflag:$0x2] =	stream.indirect.gather [hbm4b:s8+s4], $0x40, s18, s4, $0xb8;
	[tilespmem:$0x18600] =	vst v63  }
0x33: {  	_ = 	snop  }
0x34: {  	[tilespmem:s26], [sflag:$0x2] =	stream.indirect.gather [hbm4b:s8+s4], $0x40, s25, s4, $0xb8;
	[tilespmem:$0x18600] =	vst v63  }
0x35: {  	_ = 	snop  }
0x36: {  	[tilespmem:s29], [sflag:$0x2] =	stream.indirect.gather [hbm4b:s8+s4], $0x40, s28, s4, $0xb8;
	[tilespmem:$0x18600] =	vst v63  }
0x37: {  	_ = 	snop  }
0x38: {  	[tilespmem:s31], [sflag:$0x2] =	stream.indirect.gather [hbm4b:s8+s4], $0x40, s30, s4, $0xb8;
	[tilespmem:$0x18600] =	vst v63  }
0x39: {  	_ = 	snop  }
0x3a: {  	[tilespmem:s5], [sflag:$0x3] =	stream.indirect.gather [hbm4b:s3+s4], $0x80, s17, s4, $0xb8;
	[tilespmem:$0x18600] =	vst v63  }
0x3b: {  	_ = 	snop  }
0x3c: {  	[tilespmem:s10], [sflag:$0x3] =	stream.indirect.gather [hbm4b:s3+s4], $0x80, s22, s4, $0xb8;
	[tilespmem:$0x18600] =	vst v63  }
0x3d: {  	_ =	swait.ge [sflag:s19], $0x2000  }
0x3e: {  	[sflag:s19] =	ssyncset.done $0x0  }
0x3f: {  	[sflag:s19] =	ssyncadd.s32 $0xFFFFE000  }
0x40: {  	_ =	swait.ge [sflag:s19], $0x2000  }
0x41: {  	[sflag:s19] =	ssyncset.done $0x0  }
0x42: {  	[sflag:s19] =	ssyncadd.s32 $0xFFFFE000  }
0x43: {  	_ =	swait.ge [sflag:s19], $0x2000  }
0x44: {  	[sflag:s19] =	ssyncset.done $0x0  }
0x45: {  	[sflag:s19] =	ssyncadd.s32 $0xFFFFE000  }
0x46: {  	_ =	swait.ge [sflag:s19], $0x2000  }
0x47: {  	[sflag:s19] =	ssyncset.done $0x0  }
0x48: {  	s1 =	rddreg [dreg:$0xa];
	[sflag:s19] =	ssyncadd.s32 $0xFFFFE000  }
0x49: {  	[hbm4b:s1+s2] =	stream.linear.scatter [tilespmem:s15], [sflag:$0x4], $0x8000, $0x38;
	[tilespmem:$0x18600] =	vst v63  }
0x4a: {  	_ =	swait.ge [sflag:s16], $0x2000  }
0x4b: {  	[sflag:s16] =	ssyncset.done $0x0  }
0x4c: {  	[sflag:s16] =	ssyncadd.s32 $0xFFFFE000  }
0x4d: {  	_ =	swait.ge [sflag:s16], $0x2000  }
0x4e: {  	[sflag:s16] =	ssyncset.done $0x0  }
0x4f: {  	[sflag:s16] =	ssyncadd.s32 $0xFFFFE000  }
0x50: {  	_ =	swait.ge [sflag:s16], $0x2000  }
0x51: {  	[sflag:s16] =	ssyncset.done $0x0  }
0x52: {  	[sflag:s16] =	ssyncadd.s32 $0xFFFFE000  }
0x53: {  	_ =	swait.ge [sflag:s16], $0x2000  }
0x54: {  	[sflag:s16] =	ssyncset.done $0x0  }
0x55: {  	s1 =	rddreg [dreg:$0xb];
	[sflag:s16] =	ssyncadd.s32 $0xFFFFE000  }
0x56: {  	[hbm4b:s1+s2] =	stream.linear.scatter [tilespmem:s12], [sflag:$0x4], $0x8000, $0x38;
	[tilespmem:$0x18600] =	vst v63  }
0x57: {  	_ =	swait.ge [sflag:s9], $0x4000  }
0x58: {  	[sflag:s9] =	ssyncset.done $0x0  }
0x59: {  	[sflag:s9] =	ssyncadd.s32 $0xFFFFC000  }
0x5a: {  	_ =	swait.ge [sflag:s9], $0x4000  }
0x5b: {  	[sflag:s9] =	ssyncset.done $0x0  }
0x5c: {  	s1 =	rddreg [dreg:$0xc];
	[sflag:s9] =	ssyncadd.s32 $0xFFFFC000  }
0x5d: {  	[hbm4b:s1+s2] =	stream.linear.scatter [tilespmem:s5], [sflag:$0x5], $0x8000, $0x38;
	[tilespmem:$0x18600] =	vst v63  }
0x5e: {  	_ =	swait.ge [sflag:s6], $0x8000  }
0x5f: {  	[sflag:s6] =	ssyncset.done $0x0  }
0x60: {  	[sflag:s6] =	ssyncadd.s32 $0xFFFF8000  }
0x61: {  	[tilespmem:s5], [sflag:$0x3] =	stream.indirect.gather [hbm4b:s3+s4], $0x80, s14, s4, $0xb8;
	[tilespmem:$0x18600] =	vst v63  }
0x62: {  	_ = 	snop  }
0x63: {  	[tilespmem:s10], [sflag:$0x3] =	stream.indirect.gather [hbm4b:s3+s4], $0x80, s21, s4, $0xb8;
	[tilespmem:$0x18600] =	vst v63  }
0x64: {  	_ =	swait.ge [sflag:s9], $0x4000  }
0x65: {  	[sflag:s9] =	ssyncset.done $0x0  }
0x66: {  	[sflag:s9] =	ssyncadd.s32 $0xFFFFC000  }
0x67: {  	_ =	swait.ge [sflag:s9], $0x4000  }
0x68: {  	[sflag:s9] =	ssyncset.done $0x0  }
0x69: {  	s1 =	rddreg [dreg:$0xd];
	[sflag:s9] =	ssyncadd.s32 $0xFFFFC000  }
0x6a: {  	[hbm4b:s1+s2] =	stream.linear.scatter [tilespmem:s5], [sflag:$0x5], $0x8000, $0x38;
	[tilespmem:$0x18600] =	vst v63  }
0x6b: {  	_ =	swait.ge [sflag:s7], $0x8000  }
0x6c: {  	[sflag:s7] =	ssyncset.done $0x0  }
0x6d: {  	p1 =	sne.s32 s13, $0x1;
	[sflag:s7] =	ssyncadd.s32 $0xFFFF8000  }
.Ltmp1:
0x6e: {  	_ =	swait.ge [sflag:s7], $0x8000;
	(pc) =	sbr.rel @!p1 .LBB2_3-.Ltmp1, $4  }
0x6f: {  	[sflag:s7] =	ssyncset.done $0x0  }
0x70: {  	[sflag:s7] =	ssyncadd.s32 $0xFFFF8000  }
0x71: {  	p0 =	por $0x1, $0x1;
	_ =	swait.ge [sflag:s6], $0x8000  }
0x72: {  	s0 =	sadd.s32 $0xFFFFFFFF, s13;
	s1 =	rddreg [dreg:$0x7];
	[sflag:s6] =	ssyncset.done $0x0  }
.LBB2_4:
0x73: {  	[sflag:s6] =	ssyncadd.s32 $0xFFFF8000  }
0x74: {  	[tilespmem:s2], [sflag:$0x6] =	stream.linear.gather [hbm4b:s1+s2], $0x200, $0x38;
	[tilespmem:$0x18600] =	vst v63  }
0x75: {  	_ =	swait.ge [sflag:s20], $0x200  }
0x76: {  	[sflag:s20] =	ssyncset.done $0x0  }
0x77: {  	s13 =	rddreg [dreg:$0x8];
	[sflag:s20] =	ssyncadd.s32 $0xFFFFFE00  }
0x78: {  	[tilespmem:s18], [sflag:$0x6] =	stream.linear.gather [hbm4b:s13+s2], $0x200, $0x38;
	[tilespmem:$0x18600] =	vst v63  }
0x79: {  	_ =	swait.ge [sflag:s20], $0x200  }
0x7a: {  	[sflag:s20] =	ssyncset.done $0x0  }
0x7b: {  	s13 =	rddreg [dreg:$0x9];
	[sflag:s20] =	ssyncadd.s32 $0xFFFFFE00  }
0x7c: {  	[tilespmem:s17], [sflag:$0x6] =	stream.linear.gather [hbm4b:s13+s2], $0x200, $0x38;
	[tilespmem:$0x18600] =	vst v63  }
0x7d: {  	_ =	swait.ge [sflag:s20], $0x200  }
0x7e: {  	[sflag:s20] =	ssyncset.done $0x0  }
0x7f: {  	[sflag:s20] =	ssyncadd.s32 $0xFFFFFE00  }
0x80: {  	[tilespmem:s15], [sflag:$0x1] =	stream.indirect.gather [hbm4b:s11+s4], $0x40, s2, s4, $0xb8;
	[tilespmem:$0x18600] =	vst v63  }
0x81: {  	s1 =	rddreg [dreg:$0xe]  }
0x82: {  	[tilespmem:s1], [sflag:$0x1] =	stream.indirect.gather [hbm4b:s11+s4], $0x40, s4, s4, $0xb8;
	[tilespmem:$0x18600] =	vst v63  }
0x83: {  	s13 =	rddreg [dreg:$0xf];
	s1 =	simm.s32 $0x4600  }
0x84: {  	[tilespmem:s1], [sflag:$0x1] =	stream.indirect.gather [hbm4b:s11+s4], $0x40, s13, s4, $0xb8;
	[tilespmem:$0x18600] =	vst v63  }
0x85: {  	_ = 	snop  }
0x86: {  	[tilespmem:s24], [sflag:$0x1] =	stream.indirect.gather [hbm4b:s11+s4], $0x40, s23, s4, $0xb8;
	[tilespmem:$0x18600] =	vst v63  }
0x87: {  	_ = 	snop  }
0x88: {  	[tilespmem:s12], [sflag:$0x2] =	stream.indirect.gather [hbm4b:s8+s4], $0x40, s18, s4, $0xb8;
	[tilespmem:$0x18600] =	vst v63  }
0x89: {  	_ = 	snop  }
0x8a: {  	[tilespmem:s26], [sflag:$0x2] =	stream.indirect.gather [hbm4b:s8+s4], $0x40, s25, s4, $0xb8;
	[tilespmem:$0x18600] =	vst v63  }
0x8b: {  	_ = 	snop  }
0x8c: {  	[tilespmem:s29], [sflag:$0x2] =	stream.indirect.gather [hbm4b:s8+s4], $0x40, s28, s4, $0xb8;
	[tilespmem:$0x18600] =	vst v63  }
0x8d: {  	_ = 	snop  }
0x8e: {  	[tilespmem:s31], [sflag:$0x2] =	stream.indirect.gather [hbm4b:s8+s4], $0x40, s30, s4, $0xb8;
	[tilespmem:$0x18600] =	vst v63  }
0x8f: {  	_ = 	snop  }
0x90: {  	[tilespmem:s5], [sflag:$0x3] =	stream.indirect.gather [hbm4b:s3+s4], $0x80, s17, s4, $0xb8;
	[tilespmem:$0x18600] =	vst v63  }
0x91: {  	_ = 	snop  }
0x92: {  	[tilespmem:s10], [sflag:$0x3] =	stream.indirect.gather [hbm4b:s3+s4], $0x80, s22, s4, $0xb8;
	[tilespmem:$0x18600] =	vst v63  }
0x93: {  	_ =	swait.ge [sflag:s19], $0x2000  }
0x94: {  	[sflag:s19] =	ssyncset.done $0x0  }
0x95: {  	[sflag:s19] =	ssyncadd.s32 $0xFFFFE000  }
0x96: {  	_ =	swait.ge [sflag:s19], $0x2000  }
0x97: {  	[sflag:s19] =	ssyncset.done $0x0  }
0x98: {  	[sflag:s19] =	ssyncadd.s32 $0xFFFFE000  }
0x99: {  	_ =	swait.ge [sflag:s19], $0x2000  }
0x9a: {  	[sflag:s19] =	ssyncset.done $0x0  }
0x9b: {  	[sflag:s19] =	ssyncadd.s32 $0xFFFFE000  }
0x9c: {  	_ =	swait.ge [sflag:s19], $0x2000  }
0x9d: {  	[sflag:s19] =	ssyncset.done $0x0  }
0x9e: {  	s13 =	rddreg [dreg:$0xa];
	[sflag:s19] =	ssyncadd.s32 $0xFFFFE000  }
0x9f: {  	[hbm4b:s13+s2] =	stream.linear.scatter [tilespmem:s15], [sflag:$0x4], $0x8000, $0x38;
	[tilespmem:$0x18600] =	vst v63  }
0xa0: {  	_ =	swait.ge [sflag:s16], $0x2000  }
0xa1: {  	[sflag:s16] =	ssyncset.done $0x0  }
0xa2: {  	[sflag:s16] =	ssyncadd.s32 $0xFFFFE000  }
0xa3: {  	_ =	swait.ge [sflag:s16], $0x2000  }
0xa4: {  	[sflag:s16] =	ssyncset.done $0x0  }
0xa5: {  	[sflag:s16] =	ssyncadd.s32 $0xFFFFE000  }
0xa6: {  	_ =	swait.ge [sflag:s16], $0x2000  }
0xa7: {  	[sflag:s16] =	ssyncset.done $0x0  }
0xa8: {  	[sflag:s16] =	ssyncadd.s32 $0xFFFFE000  }
0xa9: {  	_ =	swait.ge [sflag:s16], $0x2000  }
0xaa: {  	[sflag:s16] =	ssyncset.done $0x0  }
0xab: {  	s13 =	rddreg [dreg:$0xb];
	[sflag:s16] =	ssyncadd.s32 $0xFFFFE000  }
0xac: {  	[hbm4b:s13+s2] =	stream.linear.scatter [tilespmem:s12], [sflag:$0x4], $0x8000, $0x38;
	[tilespmem:$0x18600] =	vst v63  }
0xad: {  	_ =	swait.ge [sflag:s9], $0x4000  }
0xae: {  	[sflag:s9] =	ssyncset.done $0x0  }
0xaf: {  	[sflag:s9] =	ssyncadd.s32 $0xFFFFC000  }
0xb0: {  	_ =	swait.ge [sflag:s9], $0x4000  }
0xb1: {  	[sflag:s9] =	ssyncset.done $0x0  }
0xb2: {  	s13 =	rddreg [dreg:$0xc];
	[sflag:s9] =	ssyncadd.s32 $0xFFFFC000  }
0xb3: {  	[hbm4b:s13+s2] =	stream.linear.scatter [tilespmem:s5], [sflag:$0x5], $0x8000, $0x38;
	[tilespmem:$0x18600] =	vst v63  }
0xb4: {  	_ =	swait.ge [sflag:s6], $0x8000  }
0xb5: {  	[sflag:s6] =	ssyncset.done $0x0  }
0xb6: {  	[sflag:s6] =	ssyncadd.s32 $0xFFFF8000  }
0xb7: {  	[tilespmem:s5], [sflag:$0x3] =	stream.indirect.gather [hbm4b:s3+s4], $0x80, s14, s4, $0xb8;
	[tilespmem:$0x18600] =	vst v63  }
0xb8: {  	_ = 	snop  }
0xb9: {  	[tilespmem:s10], [sflag:$0x3] =	stream.indirect.gather [hbm4b:s3+s4], $0x80, s21, s4, $0xb8;
	[tilespmem:$0x18600] =	vst v63  }
0xba: {  	_ =	swait.ge [sflag:s9], $0x4000  }
0xbb: {  	[sflag:s9] =	ssyncset.done $0x0  }
0xbc: {  	[sflag:s9] =	ssyncadd.s32 $0xFFFFC000  }
0xbd: {  	_ =	swait.ge [sflag:s9], $0x4000  }
0xbe: {  	[sflag:s9] =	ssyncset.done $0x0  }
0xbf: {  	s13 =	rddreg [dreg:$0xd];
	[sflag:s9] =	ssyncadd.s32 $0xFFFFC000  }
0xc0: {  	[hbm4b:s13+s2] =	stream.linear.scatter [tilespmem:s5], [sflag:$0x5], $0x8000, $0x38;
	[tilespmem:$0x18600] =	vst v63  }
0xc1: {  	_ =	swait.ge [sflag:s7], $0x8000  }
0xc2: {  	[sflag:s7] =	ssyncset.done $0x0  }
0xc3: {  	p1 =	sne.s32 s0, $0x1;
	[sflag:s7] =	ssyncadd.s32 $0xFFFF8000  }
.Ltmp2:
0xc4: {  	_ =	swait.ge [sflag:s7], $0x8000;
	(pc) =	sbr.rel @p1 .LBB2_4-.Ltmp2, $4  }
0xc5: {  	[sflag:s7] =	ssyncset.done $0x0  }
0xc6: {  	[sflag:s7] =	ssyncadd.s32 $0xFFFF8000  }
0xc7: {  	_ =	swait.ge [sflag:s6], $0x8000  }
0xc8: {  	s0 =	sadd.s32 $0xFFFFFFFF, s0;
	s1 =	rddreg [dreg:$0x7];
	[sflag:s6] =	ssyncset.done $0x0  }
0xc9: {  	s21 =	simm.s32 $0x480;
	s31 =	simm.s32 $0xE600;
	s30 =	simm.s32 $0x380  }
0xca: {  	s29 =	simm.s32 $0xC600;
	s28 =	simm.s32 $0x300;
	s26 =	simm.s32 $0xA600  }
0xcb: {  	s25 =	simm.s32 $0x280;
	s24 =	simm.s32 $0x6600;
	s23 =	simm.s32 $0x180  }
0xcc: {  	s22 =	simm.s32 $0x4600;
	s14 =	simm.s32 $0x500;
	s13 =	rddreg [dreg:$0x6]  }
.LBB2_6:
0xcd: {  	[sflag:s6] =	ssyncadd.s32 @p0 $0xFFFF8000  }
0xce: {  	[tilespmem:s2], [sflag:$0x6] =	stream.linear.gather [hbm4b:s1+s2], $0x200, $0x38;
	[tilespmem:$0x18600] =	vst v63  }
0xcf: {  	_ =	swait.ge [sflag:s20], $0x200  }
0xd0: {  	[sflag:s20] =	ssyncset.done $0x0  }
0xd1: {  	s0 =	rddreg [dreg:$0x8];
	[sflag:s20] =	ssyncadd.s32 $0xFFFFFE00  }
0xd2: {  	[tilespmem:s18], [sflag:$0x6] =	stream.linear.gather [hbm4b:s0+s2], $0x200, $0x38;
	[tilespmem:$0x18600] =	vst v63  }
0xd3: {  	_ =	swait.ge [sflag:s20], $0x200  }
0xd4: {  	[sflag:s20] =	ssyncset.done $0x0  }
0xd5: {  	s1 =	rddreg [dreg:$0x9];
	[sflag:s20] =	ssyncadd.s32 $0xFFFFFE00  }
0xd6: {  	[tilespmem:s17], [sflag:$0x6] =	stream.linear.gather [hbm4b:s1+s2], $0x200, $0x38;
	[tilespmem:$0x18600] =	vst v63  }
0xd7: {  	_ =	swait.ge [sflag:s20], $0x200  }
0xd8: {  	[sflag:s20] =	ssyncset.done $0x0  }
0xd9: {  	[sflag:s20] =	ssyncadd.s32 $0xFFFFFE00  }
0xda: {  	[tilespmem:s15], [sflag:$0x1] =	stream.indirect.gather [hbm4b:s11+s4], $0x40, s2, s4, $0xb8;
	[tilespmem:$0x18600] =	vst v63  }
0xdb: {  	s1 =	rddreg [dreg:$0xe]  }
0xdc: {  	[tilespmem:s1], [sflag:$0x1] =	stream.indirect.gather [hbm4b:s11+s4], $0x40, s4, s4, $0xb8;
	[tilespmem:$0x18600] =	vst v63  }
0xdd: {  	s20 =	rddreg [dreg:$0xf]  }
0xde: {  	[tilespmem:s22], [sflag:$0x1] =	stream.indirect.gather [hbm4b:s11+s4], $0x40, s20, s4, $0xb8;
	[tilespmem:$0x18600] =	vst v63  }
0xdf: {  	_ = 	snop  }
0xe0: {  	[tilespmem:s24], [sflag:$0x1] =	stream.indirect.gather [hbm4b:s11+s4], $0x40, s23, s4, $0xb8;
	[tilespmem:$0x18600] =	vst v63  }
0xe1: {  	_ = 	snop  }
0xe2: {  	[tilespmem:s12], [sflag:$0x2] =	stream.indirect.gather [hbm4b:s8+s4], $0x40, s18, s4, $0xb8;
	[tilespmem:$0x18600] =	vst v63  }
0xe3: {  	_ = 	snop  }
0xe4: {  	[tilespmem:s26], [sflag:$0x2] =	stream.indirect.gather [hbm4b:s8+s4], $0x40, s25, s4, $0xb8;
	[tilespmem:$0x18600] =	vst v63  }
0xe5: {  	_ = 	snop  }
0xe6: {  	[tilespmem:s29], [sflag:$0x2] =	stream.indirect.gather [hbm4b:s8+s4], $0x40, s28, s4, $0xb8;
	[tilespmem:$0x18600] =	vst v63  }
0xe7: {  	_ = 	snop  }
0xe8: {  	[tilespmem:s31], [sflag:$0x2] =	stream.indirect.gather [hbm4b:s8+s4], $0x40, s30, s4, $0xb8;
	[tilespmem:$0x18600] =	vst v63  }
0xe9: {  	_ = 	snop  }
0xea: {  	[tilespmem:s5], [sflag:$0x3] =	stream.indirect.gather [hbm4b:s3+s4], $0x80, s17, s4, $0xb8;
	[tilespmem:$0x18600] =	vst v63  }
0xeb: {  	_ = 	snop  }
0xec: {  	[tilespmem:s10], [sflag:$0x3] =	stream.indirect.gather [hbm4b:s3+s4], $0x80, s21, s4, $0xb8;
	[tilespmem:$0x18600] =	vst v63  }
0xed: {  	_ =	swait.ge [sflag:s19], $0x2000  }
0xee: {  	[sflag:s19] =	ssyncset.done $0x0  }
0xef: {  	[sflag:s19] =	ssyncadd.s32 $0xFFFFE000  }
0xf0: {  	_ =	swait.ge [sflag:s19], $0x2000  }
0xf1: {  	[sflag:s19] =	ssyncset.done $0x0  }
0xf2: {  	[sflag:s19] =	ssyncadd.s32 $0xFFFFE000  }
0xf3: {  	_ =	swait.ge [sflag:s19], $0x2000  }
0xf4: {  	[sflag:s19] =	ssyncset.done $0x0  }
0xf5: {  	[sflag:s19] =	ssyncadd.s32 $0xFFFFE000  }
0xf6: {  	_ =	swait.ge [sflag:s19], $0x2000  }
0xf7: {  	[sflag:s19] =	ssyncset.done $0x0  }
0xf8: {  	s25 =	rddreg [dreg:$0xa];
	[sflag:s19] =	ssyncadd.s32 $0xFFFFE000  }
0xf9: {  	[hbm4b:s25+s2] =	stream.linear.scatter [tilespmem:s15], [sflag:$0x4], $0x8000, $0x38;
	[tilespmem:$0x18600] =	vst v63  }
0xfa: {  	_ =	swait.ge [sflag:s16], $0x2000  }
0xfb: {  	[sflag:s16] =	ssyncset.done $0x0  }
0xfc: {  	[sflag:s16] =	ssyncadd.s32 $0xFFFFE000  }
0xfd: {  	_ =	swait.ge [sflag:s16], $0x2000  }
0xfe: {  	[sflag:s16] =	ssyncset.done $0x0  }
0xff: {  	[sflag:s16] =	ssyncadd.s32 $0xFFFFE000  }
0x100: {  	_ =	swait.ge [sflag:s16], $0x2000  }
0x101: {  	[sflag:s16] =	ssyncset.done $0x0  }
0x102: {  	[sflag:s16] =	ssyncadd.s32 $0xFFFFE000  }
0x103: {  	_ =	swait.ge [sflag:s16], $0x2000  }
0x104: {  	[sflag:s16] =	ssyncset.done $0x0  }
0x105: {  	s26 =	rddreg [dreg:$0xb];
	[sflag:s16] =	ssyncadd.s32 $0xFFFFE000  }
0x106: {  	[hbm4b:s26+s2] =	stream.linear.scatter [tilespmem:s12], [sflag:$0x4], $0x8000, $0x38;
	[tilespmem:$0x18600] =	vst v63  }
0x107: {  	_ =	swait.ge [sflag:s9], $0x4000  }
0x108: {  	[sflag:s9] =	ssyncset.done $0x0  }
0x109: {  	[sflag:s9] =	ssyncadd.s32 $0xFFFFC000  }
0x10a: {  	_ =	swait.ge [sflag:s9], $0x4000  }
0x10b: {  	[sflag:s9] =	ssyncset.done $0x0  }
0x10c: {  	s28 =	rddreg [dreg:$0xc];
	[sflag:s9] =	ssyncadd.s32 $0xFFFFC000  }
0x10d: {  	[hbm4b:s28+s2] =	stream.linear.scatter [tilespmem:s5], [sflag:$0x5], $0x8000, $0x38;
	[tilespmem:$0x18600] =	vst v63  }
0x10e: {  	_ =	swait.ge [sflag:s6], $0x8000  }
0x10f: {  	[sflag:s6] =	ssyncset.done $0x0  }
0x110: {  	[sflag:s6] =	ssyncadd.s32 $0xFFFF8000  }
0x111: {  	[tilespmem:s5], [sflag:$0x3] =	stream.indirect.gather [hbm4b:s3+s4], $0x80, s14, s4, $0xb8;
	[tilespmem:$0x18600] =	vst v63  }
0x112: {  	s29 =	simm.s32 $0x580  }
0x113: {  	[tilespmem:s10], [sflag:$0x3] =	stream.indirect.gather [hbm4b:s3+s4], $0x80, s29, s4, $0xb8;
	[tilespmem:$0x18600] =	vst v63  }
0x114: {  	_ =	swait.ge [sflag:s9], $0x4000  }
0x115: {  	[sflag:s9] =	ssyncset.done $0x0  }
0x116: {  	[sflag:s9] =	ssyncadd.s32 $0xFFFFC000  }
0x117: {  	_ =	swait.ge [sflag:s9], $0x4000  }
0x118: {  	[sflag:s9] =	ssyncset.done $0x0  }
0x119: {  	s30 =	rddreg [dreg:$0xd];
	[sflag:s9] =	ssyncadd.s32 $0xFFFFC000  }
0x11a: {  	[hbm4b:s30+s2] =	stream.linear.scatter [tilespmem:s5], [sflag:$0x5], $0x8000, $0x38;
	[tilespmem:$0x18600] =	vst v63  }
0x11b: {  	_ =	swait.ge [sflag:s7], $0x8000  }
0x11c: {  	[sflag:s7] =	ssyncset.done $0x0  }
0x11d: {  	[sflag:s7] =	ssyncadd.s32 $0xFFFF8000  }
0x11e: {  	_ =	swait.ge [sflag:s7], $0x8000  }
0x11f: {  	[sflag:s7] =	ssyncset.done $0x0  }
0x120: {  	[sflag:s7] =	ssyncadd.s32 $0xFFFF8000  }
0x121: {  	_ =	swait.ge [sflag:s6], $0x8000  }
0x122: {  	[sflag:s6] =	ssyncset.done $0x0  }
0x123: {  	[sflag:s6] =	ssyncadd.s32 $0xFFFF8000  }
0x124: {  	_ =	sfence.sel $0x180000  }
0x125: {  	s31 =	stileid.u32;
	[bflag:$0x0] =	sbarrier.arrive $0xFFFF  }
0x126: {  	p0 =	sne.s32 s31, $0x0;
	_ =	strace $0x90000047  }
0x127: {  	s0 =	sadd.s32 @!p0 $0x100000, s13;
	[bflag:$0x2] =	sbarrier.arrive $0xFFFF  }
0x128: {  	[sflag:s0] =	ssyncadd.tile.s32 @!p0 $0x1;
	_ =	shalt  }
.LBB2_1:
.Ltmp3:
0x129: {  	(pc) =	sbr.rel .LBB2_6-.Ltmp3, $4  }
0x12a: {  	s21 =	simm.s32 $0x480;
	s31 =	simm.s32 $0xE600  }
0x12b: {  	s30 =	simm.s32 $0x380;
	s29 =	simm.s32 $0xC600;
	s28 =	simm.s32 $0x300  }
0x12c: {  	s26 =	simm.s32 $0xA600;
	s25 =	simm.s32 $0x280;
	s24 =	simm.s32 $0x6600  }
0x12d: {  	s23 =	simm.s32 $0x180;
	s22 =	simm.s32 $0x4600;
	s14 =	simm.s32 $0x500  }
.LBB2_3:
.Ltmp4:
0x12e: {  	(pc) =	sbr.rel .LBB2_6-.Ltmp4, $4  }
0x12f: {  	s21 =	simm.s32 $0x480;
	s31 =	simm.s32 $0xE600;
	s30 =	simm.s32 $0x380  }
0x130: {  	s29 =	simm.s32 $0xC600;
	s28 =	simm.s32 $0x300;
	s26 =	simm.s32 $0xA600  }
0x131: {  	s25 =	simm.s32 $0x280;
	s24 =	simm.s32 $0x6600;
	s23 =	simm.s32 $0x180  }
0x132: {  	s22 =	simm.s32 $0x4600;
	s14 =	simm.s32 $0x500;
	s13 =	rddreg [dreg:$0x6]  }
.Lfunc_end2:
_tile_overlayer_lowered:
.L_overlay_start_2:
0x133: {  	(tag) =	ssettag $0x2  }
0x134: {  	s0 =	rddreg [dreg:$0x0];
	s2 =	stileid.u32  }
0x135: {  	s1 =	rddreg [dreg:$0x1];
	p0 =	sne.s32 s2, $0x0  }
0x136: {  	s3 =	rddreg [dreg:$0x2];
	[bflag:$0x3] =	sbarrier.arrive $0xFFFF;
	s2 =	simm.s32 @!p0 $0x1C06  }
0x137: {  	[timem:s3], [sflag:s2] =	dma.local @!p0 [hbm:s0], s1  }
0x138: {  	s0 =	simm.s32 @!p0 $0x6  }
0x139: {  	_ =	swait.ge @!p0 [sflag:s0], s1  }
0x13a: {  	s1 =	ssub.s32 @!p0 $0x0, s1;
	[sflag:s0] =	ssyncset.done @!p0 $0x0  }
0x13b: {  	[sflag:s0] =	ssyncadd.s32 @!p0 s1  }
0x13c: {  	[bflag:$0x3] =	sbarrier.arrive $0xFFFF  }
0x13d: {  	_ =	shalt  }

</sc_bundles>
